<compile_context>
chip_gen: v7x
topology: tpu7x:2x2x1
jax: 0.10.2.dev20260603
libtpu: 0.0.44.dev20260713+nightly
codegen_flags: <defaults>
</compile_context>

<pallas_src>
import functools

import jax
import jax.numpy as jnp
from jax import lax
from jax.experimental import pallas as pl
from jax.experimental.pallas import tpu as pltpu
from jax.experimental.pallas import tpu_sc as plsc

EMB = 32
NS = 16
LANES = 16
CHUNK = 32

_DNUMS = lax.GatherDimensionNumbers(
    offset_dims=(), collapsed_slice_dims=(0,), start_index_map=(0,))


def _lane_perm(x, idx):
    return lax.gather(x, idx[:, None], _DNUMS, (1,),
                      mode=lax.GatherScatterMode.PROMISE_IN_BOUNDS)


def _lane_reduce(x, op):
    lanes = lax.iota(jnp.int32, LANES)
    for sh in (1, 2, 4, 8):
        x = op(x, _lane_perm(x, jnp.bitwise_xor(lanes, sh)))
    return x



_RBLK = 8192


def _repack_body(a_ref, b_ref, ap_ref, bp_ref):
    rows = a_ref.shape[0]
    pack = 128 // rows
    for src, dst in ((a_ref, ap_ref), (b_ref, bp_ref)):
        t3 = src[...].T.reshape(_RBLK // pack, pack, rows)
        for q in range(pack):
            dst[:, q * rows:(q + 1) * rows] = t3[:, q, :]


def _repack_pair(a_t, b_t):
    rows, n = a_t.shape
    pack = 128 // rows
    out_rows = n * rows // 128
    grid = (n + _RBLK - 1) // _RBLK
    spec_in = pl.BlockSpec((rows, _RBLK), lambda j: (0, j))
    spec_out = pl.BlockSpec((_RBLK // pack, 128), lambda j: (j, 0))
    return pl.pallas_call(
        _repack_body,
        grid=(grid,),
        in_specs=[spec_in, spec_in],
        out_specs=[spec_out, spec_out],
        out_shape=[jax.ShapeDtypeStruct((out_rows, 128), a_t.dtype),
                   jax.ShapeDtypeStruct((out_rows, 128), b_t.dtype)],
    )(a_t, b_t)



def _sc_body_simple(nc, bpw,
                    user_idx, item_idx, adj_e, adj_r, user_emb, entity_emb,
                    rel_t, u_out, x_out,
                    iidx_v, uidx_v, e1_v, r1_v, u_v, v0_v, v1_v, relt_v,
                    x_v, sem_a, sem_b, sem_c):
    wid = lax.axis_index("s") * nc + lax.axis_index("c")
    base = wid * bpw

    pltpu.sync_copy(item_idx.at[pl.ds(base, bpw)], iidx_v)
    pltpu.sync_copy(user_idx.at[pl.ds(base, bpw)], uidx_v)

    ce1 = pltpu.async_copy(adj_e.at[iidx_v], e1_v, sem_b)
    cu = pltpu.async_copy(user_emb.at[uidx_v], u_v, sem_a)
    cv0 = pltpu.async_copy(entity_emb.at[iidx_v], v0_v, sem_a)
    cr1 = pltpu.async_copy(adj_r.at[iidx_v], r1_v, sem_a)
    pltpu.sync_copy(rel_t, relt_v)
    ce1.wait()

    def fire(b, carry):
        pltpu.make_async_copy(entity_emb.at[e1_v.at[b]], v1_v.at[b],
                              sem_c).start()
        return carry

    lax.fori_loop(0, bpw, fire, 0)
    cu.wait()
    cv0.wait()
    cr1.wait()

    def drain(b, carry):
        pltpu.make_async_copy(entity_emb.at[e1_v.at[0]], v1_v.at[0],
                              sem_c).wait()
        return carry

    lax.fori_loop(0, bpw, drain, 0)

    def body(b, carry):
        u0 = u_v[b, 0:LANES]
        u1 = u_v[b, LANES:EMB]
        ur = jnp.zeros((LANES,), jnp.float32)
        for d in range(LANES):
            ur = ur + u0[d] * relt_v[d, :]
        for d in range(LANES):
            ur = ur + u1[d] * relt_v[LANES + d, :]
        att = _lane_perm(ur, r1_v[b, :])
        m = _lane_reduce(att, jnp.maximum)
        e = jnp.exp(att - m)
        p = e / _lane_reduce(e, jnp.add)
        a0 = v0_v[b, 0:LANES]
        a1 = v0_v[b, LANES:EMB]
        for s in range(NS):
            ps = p[s]
            a0 = a0 + ps * v1_v[b, s, 0:LANES]
            a1 = a1 + ps * v1_v[b, s, LANES:EMB]
        x_v[b, 0:LANES] = a0
        x_v[b, LANES:EMB] = a1
        return carry

    lax.fori_loop(0, bpw, body, 0)

    pltpu.sync_copy(u_v, u_out.at[pl.ds(base, bpw)])
    pltpu.sync_copy(x_v, x_out.at[pl.ds(base, bpw)])


def _sc_gather_agg_simple(user_idx, item_idx, adj_e, adj_r, user_emb,
                          entity_emb, rel_t):
    batch = user_idx.shape[0]
    info = plsc.get_sparse_core_info()
    nc, nsub = info.num_cores, info.num_subcores
    nw = nc * nsub
    bpw = batch // nw
    mesh = plsc.VectorSubcoreMesh(core_axis_name="c", subcore_axis_name="s")
    f32 = jnp.float32
    kern = pl.kernel(
        functools.partial(_sc_body_simple, nc, bpw),
        out_type=(jax.ShapeDtypeStruct((batch, EMB), f32),
                  jax.ShapeDtypeStruct((batch, EMB), f32)),
        mesh=mesh,
        scratch_types=(
            pltpu.VMEM((bpw,), jnp.int32),
            pltpu.VMEM((bpw,), jnp.int32),
            pltpu.VMEM((bpw, NS), jnp.int32),
            pltpu.VMEM((bpw, NS), jnp.int32),
            pltpu.VMEM((bpw, EMB), f32),
            pltpu.VMEM((bpw, EMB), f32),
            pltpu.VMEM((bpw, NS, EMB), f32),
            pltpu.VMEM((EMB, LANES), f32),
            pltpu.VMEM((bpw, EMB), f32),
            pltpu.SemaphoreType.DMA,
            pltpu.SemaphoreType.DMA,
            pltpu.SemaphoreType.DMA,
        ),
        compiler_params=pltpu.CompilerParams(use_tc_tiling_on_sc=False),
    )
    return kern(user_idx, item_idx, adj_e, adj_r, user_emb, entity_emb, rel_t)


def _sc_body(nc, bpw,
             user_idx, item_idx, adj_ep, adj_rp, user_p, entity_p, rel_t,
             u_out, x_out,
             iidx_v, uidx_v, pk_v, ae_v, ar_v, up_v, v0p_v, v1p_v, vidx_v,
             offv_v, r1_v, u_v, v0_v, v1un_v, relt_v, x_v,
             sem_a, sem_c):
    wid = lax.axis_index("s") * nc + lax.axis_index("c")
    base = wid * bpw

    pltpu.sync_copy(item_idx.at[pl.ds(base, bpw)], iidx_v)
    pltpu.sync_copy(user_idx.at[pl.ds(base, bpw)], uidx_v)
    pltpu.sync_copy(rel_t, relt_v)

    nchunks = bpw // CHUNK
    ngroups = CHUNK // LANES

    def chunk_body(c, carry):
        cbase = c * CHUNK
        for g in range(ngroups):
            iv = iidx_v[pl.ds(cbase + g * LANES, LANES)]
            uv = uidx_v[pl.ds(cbase + g * LANES, LANES)]
            pk_v[0, pl.ds(g * LANES, LANES)] = jnp.right_shift(iv, 3)
            pk_v[1, pl.ds(g * LANES, LANES)] = jnp.right_shift(iv, 2)
            pk_v[2, pl.ds(g * LANES, LANES)] = jnp.right_shift(uv, 2)
        cae = pltpu.async_copy(adj_ep.at[pk_v.at[0]], ae_v, sem_a)
        car = pltpu.async_copy(adj_rp.at[pk_v.at[0]], ar_v, sem_a)
        cv0 = pltpu.async_copy(entity_p.at[pk_v.at[1]], v0p_v, sem_a)
        cup = pltpu.async_copy(user_p.at[pk_v.at[2]], up_v, sem_a)
        cae.wait()
        car.wait()
        cv0.wait()
        cup.wait()

        for g in range(ngroups):
            iv = iidx_v[pl.ds(cbase + g * LANES, LANES)]
            uv = uidx_v[pl.ds(cbase + g * LANES, LANES)]
            for lane in range(LANES):
                bl = g * LANES + lane
                b = cbase + bl
                ioff = (iv[lane] & 7) * NS
                e1 = ae_v[bl, pl.ds(ioff, NS)]
                vidx_v[bl, :] = jnp.right_shift(e1, 2)
                offv_v[bl, :] = (e1 & 3) * EMB
                r1_v[bl, :] = ar_v[bl, pl.ds(ioff, NS)]
                voff = (iv[lane] & 3) * EMB
                v0_v[b, 0:LANES] = v0p_v[bl, pl.ds(voff, LANES)]
                v0_v[b, LANES:EMB] = v0p_v[bl, pl.ds(voff + LANES, LANES)]
                uoff = (uv[lane] & 3) * EMB
                u_v[b, 0:LANES] = up_v[bl, pl.ds(uoff, LANES)]
                u_v[b, LANES:EMB] = up_v[bl, pl.ds(uoff + LANES, LANES)]

        def fire(bl, carry2):
            pltpu.make_async_copy(entity_p.at[vidx_v.at[bl]], v1p_v.at[bl],
                                  sem_c).start()
            return carry2

        lax.fori_loop(0, CHUNK, fire, 0)

        def drain(bl, carry2):
            pltpu.make_async_copy(entity_p.at[vidx_v.at[0]], v1p_v.at[0],
                                  sem_c).wait()
            return carry2

        lax.fori_loop(0, CHUNK, drain, 0)

        for g in range(ngroups):
            for lane in range(LANES):
                bl = g * LANES + lane
                offs = offv_v[bl, :]
                for s in range(NS):
                    o = offs[s]
                    v1un_v[bl, s, 0:LANES] = v1p_v[bl, s, pl.ds(o, LANES)]
                    v1un_v[bl, s, LANES:EMB] = v1p_v[bl, s,
                                                     pl.ds(o + LANES, LANES)]

        def body(bl, carry2):
            b = cbase + bl
            u0 = u_v[b, 0:LANES]
            u1 = u_v[b, LANES:EMB]
            ur = jnp.zeros((LANES,), jnp.float32)
            for d in range(LANES):
                ur = ur + u0[d] * relt_v[d, :]
            for d in range(LANES):
                ur = ur + u1[d] * relt_v[LANES + d, :]
            att = _lane_perm(ur, r1_v[bl, :])
            m = _lane_reduce(att, jnp.maximum)
            e = jnp.exp(att - m)
            p = e / _lane_reduce(e, jnp.add)
            a0 = v0_v[b, 0:LANES]
            a1 = v0_v[b, LANES:EMB]
            for s in range(NS):
                ps = p[s]
                a0 = a0 + ps * v1un_v[bl, s, 0:LANES]
                a1 = a1 + ps * v1un_v[bl, s, LANES:EMB]
            x_v[b, 0:LANES] = a0
            x_v[b, LANES:EMB] = a1
            return carry2

        lax.fori_loop(0, CHUNK, body, 0)
        return carry

    lax.fori_loop(0, nchunks, chunk_body, 0)

    pltpu.sync_copy(u_v, u_out.at[pl.ds(base, bpw)])
    pltpu.sync_copy(x_v, x_out.at[pl.ds(base, bpw)])


def _sc_gather_agg(user_idx, item_idx, adj_ep, adj_rp, user_p, entity_p,
                   rel_t):
    batch = user_idx.shape[0]
    info = plsc.get_sparse_core_info()
    nc, nsub = info.num_cores, info.num_subcores
    nw = nc * nsub
    bpw = batch // nw
    mesh = plsc.VectorSubcoreMesh(core_axis_name="c", subcore_axis_name="s")
    f32 = jnp.float32
    i32 = jnp.int32
    kern = pl.kernel(
        functools.partial(_sc_body, nc, bpw),
        out_type=(jax.ShapeDtypeStruct((batch, EMB), f32),
                  jax.ShapeDtypeStruct((batch, EMB), f32)),
        mesh=mesh,
        scratch_types=(
            pltpu.VMEM((bpw,), i32),
            pltpu.VMEM((bpw,), i32),
            pltpu.VMEM((3, CHUNK), i32),
            pltpu.VMEM((CHUNK, 128), i32),
            pltpu.VMEM((CHUNK, 128), i32),
            pltpu.VMEM((CHUNK, 128), f32),
            pltpu.VMEM((CHUNK, 128), f32),
            pltpu.VMEM((CHUNK, NS, 128), f32),
            pltpu.VMEM((CHUNK, NS), i32),
            pltpu.VMEM((CHUNK, NS), i32),
            pltpu.VMEM((CHUNK, NS), i32),
            pltpu.VMEM((bpw, EMB), f32),
            pltpu.VMEM((bpw, EMB), f32),
            pltpu.VMEM((CHUNK, NS, EMB), f32),
            pltpu.VMEM((EMB, LANES), f32),
            pltpu.VMEM((bpw, EMB), f32),
            pltpu.SemaphoreType.DMA,
            pltpu.SemaphoreType.DMA,
        ),
        compiler_params=pltpu.CompilerParams(use_tc_tiling_on_sc=False),
    )
    return kern(user_idx, item_idx, adj_ep, adj_rp, user_p, entity_p, rel_t)



def _tc_body(u_ref, x_ref, wt_ref, b_ref, out_ref):
    x = x_ref[...]
    y = jnp.dot(x, wt_ref[...], preferred_element_type=jnp.float32)
    y = y + b_ref[...][None, :]
    y = jnp.where(y >= 0, y, 0.01 * y)
    s = jnp.sum(u_ref[...] * y, axis=-1)
    out_ref[...] = jax.nn.sigmoid(s)


def _tc_final(u, x, W0, b0):
    batch = u.shape[0]
    return pl.pallas_call(
        _tc_body,
        out_shape=jax.ShapeDtypeStruct((batch,), jnp.float32),
    )(u, x, W0.T, b0)


def kernel(user_indices, item_indices, adj_entity, adj_relation, user_emb,
           entity_emb, relation_emb, W0, b0, W1, b1):
    del W1, b1
    user_idx = user_indices.astype(jnp.int32)
    item_idx = item_indices.astype(jnp.int32)
    rel_t = relation_emb.T
    user_p, entity_p = _repack_pair(user_emb.T, entity_emb.T)
    adj_ep, adj_rp = _repack_pair(adj_entity.astype(jnp.int32).T,
                                  adj_relation.astype(jnp.int32).T)
    n_ent = entity_emb.shape[0]
    u, x = _sc_gather_agg_simple(
        user_idx, item_idx,
        adj_ep.reshape(n_ent, NS), adj_rp.reshape(n_ent, NS),
        user_p.reshape(n_ent, EMB), entity_p.reshape(n_ent, EMB), rel_t)
    return _tc_final(u, x, W0, b0)

# --- scband reference (transcript-rebuilt; emitter-appended) ---
"""Pipeline reference for scband-kgplstudent-25091198943334 (READ-ONLY COPY).

The authoritative reference and input builder live on the scoring server;
editing this copy changes nothing except your own understanding.
"""

import jax, jax.numpy as jnp
import numpy as np

N_USERS = 100000
N_ENTITIES = 100000
N_RELATIONS = 16
EMB_DIM = 32
N_ITER = 2
NEIGHBOR_SIZE = 16
BATCH = 4096


def setup_inputs() -> dict:
    ks = jax.random.split(jax.random.key(0), 11)
    user_indices = jax.random.randint(ks[0], (BATCH,), 0, N_USERS)
    item_indices = jax.random.randint(ks[1], (BATCH,), 0, N_ENTITIES)
    adj_entity = jax.random.randint(ks[2], (N_ENTITIES, NEIGHBOR_SIZE), 0, N_ENTITIES)
    adj_relation = jax.random.randint(ks[3], (N_ENTITIES, NEIGHBOR_SIZE), 0, N_RELATIONS)
    user_emb = jax.random.normal(ks[4], (N_USERS, EMB_DIM), jnp.float32) * 0.1
    entity_emb = jax.random.normal(ks[5], (N_ENTITIES, EMB_DIM), jnp.float32) * 0.1
    relation_emb = jax.random.normal(ks[6], (N_RELATIONS, EMB_DIM), jnp.float32) * 0.1
    s = 1.0 / np.sqrt(EMB_DIM)
    W0 = jax.random.uniform(ks[7], (EMB_DIM, EMB_DIM), jnp.float32, -s, s)
    b0 = jax.random.uniform(ks[8], (EMB_DIM,), jnp.float32, -s, s)
    W1 = jax.random.uniform(ks[9], (EMB_DIM, EMB_DIM), jnp.float32, -s, s)
    b1 = jax.random.uniform(ks[10], (EMB_DIM,), jnp.float32, -s, s)
    return {
        'user_indices': user_indices,
        'item_indices': item_indices,
        'adj_entity': adj_entity,
        'adj_relation': adj_relation,
        'user_emb': user_emb,
        'entity_emb': entity_emb,
        'relation_emb': relation_emb,
        'W0': W0, 'b0': b0, 'W1': W1, 'b1': b1,
    }


def reference(user_indices, item_indices, adj_entity, adj_relation,
              user_emb, entity_emb, relation_emb, W0, b0, W1, b1):
    batch = user_indices.shape[0]
    d = user_emb.shape[1]
    ns = adj_entity.shape[1]
    # user embedding (dropout is identity in eval mode)
    user_vec = jnp.take(user_emb, user_indices, axis=0)  # [B, d]
    # get_neighbors: fixed-fanout hop expansion via adjacency gather
    entities = [item_indices[:, None]]  # [B, 1]
    relations = []
    for _ in range(N_ITER):
        cur = entities[-1]
        entities.append(jnp.take(adj_entity, cur, axis=0))    # [..., ns]
        relations.append(jnp.take(adj_relation, cur, axis=0))  # [..., ns]
    # embedding lookups (the dominant gather work)
    entity_vectors = [jnp.take(entity_emb, e, axis=0) for e in entities]
    relation_vectors = [jnp.take(relation_emb, r, axis=0) for r in relations]
    Ws = [(W0, b0), (W1, b1)]
    for i in range(N_ITER):
        self_vecs = entity_vectors[i].reshape(batch, -1, d)            # [B, n, d]
        neigh_vecs = entity_vectors[i + 1].reshape(batch, -1, ns, d)   # [B, n, ns, d]
        neigh_rels = relation_vectors[i].reshape(batch, -1, ns, d)     # [B, n, ns, d]
        # SumAggregator: user-relation attention over neighbors
        user = user_vec.reshape(batch, 1, 1, d)
        att_scores = jnp.sum(user * neigh_rels, axis=-1)               # [B, n, ns]
        probs = jax.nn.softmax(att_scores, axis=-1)[..., None]         # [B, n, ns, 1]
        neigh_agg = jnp.sum(probs * neigh_vecs, axis=2)                # [B, n, d]
        out = (self_vecs + neigh_agg).reshape(-1, d)
        W, b = Ws[i]
        out = out @ W.T + b  # torch nn.Linear convention
        if i == N_ITER - 1:
            out = jnp.tanh(out)
        else:
            out = jax.nn.leaky_relu(out, negative_slope=0.01)
        entity_vectors[i] = out.reshape(batch, -1, d)
    item_vec = entity_vectors[0].reshape(batch, d)
    scores = jnp.sum(user_vec * item_vec, axis=-1)
    return jax.nn.sigmoid(scores)

if __name__ == "__main__":
    import jax
    _d = setup_inputs()
    print(jax.jit(kernel)(*tuple(_d.values())))

</pallas_src>

<mosaic_0001>
#map = affine_map<(d0, d1) -> (0)>
#map1 = affine_map<(d0, d1) -> (0, 0)>
module attributes {stable_mosaic.version = 14 : i64} {
  func.func @_sc_body_simple(%arg0: i32, %arg1: i32, %arg2: memref<4096xi32, #tpu.memory_space<hbm>>, %arg3: memref<4096xi32, #tpu.memory_space<hbm>>, %arg4: memref<100000x16xi32, #tpu.memory_space<hbm>>, %arg5: memref<100000x16xi32, #tpu.memory_space<hbm>>, %arg6: memref<100000x32xf32, #tpu.memory_space<hbm>>, %arg7: memref<100000x32xf32, #tpu.memory_space<hbm>>, %arg8: memref<32x16xf32, #tpu.memory_space<hbm>>, %arg9: memref<4096x32xf32, #tpu.memory_space<hbm>>, %arg10: memref<4096x32xf32, #tpu.memory_space<hbm>>, %arg11: memref<128xi32, #tpu.memory_space<vmem>>, %arg12: memref<128xi32, #tpu.memory_space<vmem>>, %arg13: memref<128x16xi32, #tpu.memory_space<vmem>>, %arg14: memref<128x16xi32, #tpu.memory_space<vmem>>, %arg15: memref<128x32xf32, #tpu.memory_space<vmem>>, %arg16: memref<128x32xf32, #tpu.memory_space<vmem>>, %arg17: memref<128x16x32xf32, #tpu.memory_space<vmem>>, %arg18: memref<32x16xf32, #tpu.memory_space<vmem>>, %arg19: memref<128x32xf32, #tpu.memory_space<vmem>>, %arg20: memref<!tpu.dma_semaphore, #tpu.memory_space<semaphore_mem>>, %arg21: memref<!tpu.dma_semaphore, #tpu.memory_space<semaphore_mem>>, %arg22: memref<!tpu.dma_semaphore, #tpu.memory_space<semaphore_mem>>) attributes {dimension_semantics = [#tpu.dimension_semantics<core_parallel>, #tpu.dimension_semantics<subcore_parallel>], iteration_bounds = array<i64: 2, 16>, scalar_prefetch = 0 : i64, scratch_operands = 12 : i64, tpu.core_type = #tpu.core_type<sc_vector_subcore>, window_params = [{transform_indices = #map}, {transform_indices = #map}, {transform_indices = #map1}, {transform_indices = #map1}, {transform_indices = #map1}, {transform_indices = #map1}, {transform_indices = #map1}, {transform_indices = #map1}, {transform_indices = #map1}]} {
    %mul3A = arith.constant 2 : i32
    %mul3A_0 = arith.muli %arg1, %mul3A : i32
    %add3A = arith.addi %mul3A_0, %arg0 : i32
    %mul3A_1 = arith.constant 128 : i32
    %mul3A_2 = arith.muli %add3A, %mul3A_1 : i32
    "tpu.region"() ({
      %run_scoped3A = tpu.sem_alloc : memref<!tpu.dma_semaphore, #tpu.memory_space<semaphore_mem>>
      %dma_start3A_42 = tpu.memref_slice %arg3[%mul3A_2] : memref<4096xi32, #tpu.memory_space<hbm>> -> memref<128xi32, #tpu.memory_space<hbm>>
      %dma_start3A_43 = tpu.memref_slice %arg3[%mul3A_2] : memref<4096xi32, #tpu.memory_space<hbm>> -> memref<128xi32, #tpu.memory_space<hbm>>
      tpu.enqueue_dma source(%dma_start3A_43 : memref<128xi32, #tpu.memory_space<hbm>>) target(%arg11 : memref<128xi32, #tpu.memory_space<vmem>>) target_semaphore(%run_scoped3A : memref<!tpu.dma_semaphore, #tpu.memory_space<semaphore_mem>>)
      %dma_wait3A_44 = tpu.memref_slice %arg3[%mul3A_2] : memref<4096xi32, #tpu.memory_space<hbm>> -> memref<128xi32, #tpu.memory_space<hbm>>
      %dma_wait3A_45 = tpu.memref_slice %arg3[%mul3A_2] : memref<4096xi32, #tpu.memory_space<hbm>> -> memref<128xi32, #tpu.memory_space<hbm>>
      tpu.wait_dma2 semaphore(%run_scoped3A : memref<!tpu.dma_semaphore, #tpu.memory_space<semaphore_mem>>) src(%dma_wait3A_45 : memref<128xi32, #tpu.memory_space<hbm>>) dst(%arg11 : memref<128xi32, #tpu.memory_space<vmem>>)
      tpu.yield
    }) : () -> ()
    "tpu.region"() ({
      %run_scoped3A = tpu.sem_alloc : memref<!tpu.dma_semaphore, #tpu.memory_space<semaphore_mem>>
      %dma_start3A_42 = tpu.memref_slice %arg2[%mul3A_2] : memref<4096xi32, #tpu.memory_space<hbm>> -> memref<128xi32, #tpu.memory_space<hbm>>
      %dma_start3A_43 = tpu.memref_slice %arg2[%mul3A_2] : memref<4096xi32, #tpu.memory_space<hbm>> -> memref<128xi32, #tpu.memory_space<hbm>>
      tpu.enqueue_dma source(%dma_start3A_43 : memref<128xi32, #tpu.memory_space<hbm>>) target(%arg12 : memref<128xi32, #tpu.memory_space<vmem>>) target_semaphore(%run_scoped3A : memref<!tpu.dma_semaphore, #tpu.memory_space<semaphore_mem>>)
      %dma_wait3A_44 = tpu.memref_slice %arg2[%mul3A_2] : memref<4096xi32, #tpu.memory_space<hbm>> -> memref<128xi32, #tpu.memory_space<hbm>>
      %dma_wait3A_45 = tpu.memref_slice %arg2[%mul3A_2] : memref<4096xi32, #tpu.memory_space<hbm>> -> memref<128xi32, #tpu.memory_space<hbm>>
      tpu.wait_dma2 semaphore(%run_scoped3A : memref<!tpu.dma_semaphore, #tpu.memory_space<semaphore_mem>>) src(%dma_wait3A_45 : memref<128xi32, #tpu.memory_space<hbm>>) dst(%arg12 : memref<128xi32, #tpu.memory_space<vmem>>)
      tpu.yield
    }) : () -> ()
    %dma_start3A = arith.constant 0 : i32
    %dma_start3A_3 = arith.constant 0 : i32
    %dma_start3A_4 = tpu.memref_slice %arg4[%dma_start3A, %dma_start3A_3] : memref<100000x16xi32, #tpu.memory_space<hbm>> -> memref<100000x16xi32, #tpu.memory_space<hbm>>
    tpu.enqueue_indirect_dma source(%dma_start3A_4 : memref<100000x16xi32, #tpu.memory_space<hbm>>) target(%arg13 : memref<128x16xi32, #tpu.memory_space<vmem>>) offsets(%arg11 : memref<128xi32, #tpu.memory_space<vmem>>) semaphore(%arg21 : memref<!tpu.dma_semaphore, #tpu.memory_space<semaphore_mem>>)
    %dma_start3A_5 = arith.constant 0 : i32
    %dma_start3A_6 = arith.constant 0 : i32
    %dma_start3A_7 = tpu.memref_slice %arg6[%dma_start3A_5, %dma_start3A_6] : memref<100000x32xf32, #tpu.memory_space<hbm>> -> memref<100000x32xf32, #tpu.memory_space<hbm>>
    tpu.enqueue_indirect_dma source(%dma_start3A_7 : memref<100000x32xf32, #tpu.memory_space<hbm>>) target(%arg15 : memref<128x32xf32, #tpu.memory_space<vmem>>) offsets(%arg12 : memref<128xi32, #tpu.memory_space<vmem>>) semaphore(%arg20 : memref<!tpu.dma_semaphore, #tpu.memory_space<semaphore_mem>>)
    %dma_start3A_8 = arith.constant 0 : i32
    %dma_start3A_9 = arith.constant 0 : i32
    %dma_start3A_10 = tpu.memref_slice %arg7[%dma_start3A_8, %dma_start3A_9] : memref<100000x32xf32, #tpu.memory_space<hbm>> -> memref<100000x32xf32, #tpu.memory_space<hbm>>
    tpu.enqueue_indirect_dma source(%dma_start3A_10 : memref<100000x32xf32, #tpu.memory_space<hbm>>) target(%arg16 : memref<128x32xf32, #tpu.memory_space<vmem>>) offsets(%arg11 : memref<128xi32, #tpu.memory_space<vmem>>) semaphore(%arg20 : memref<!tpu.dma_semaphore, #tpu.memory_space<semaphore_mem>>)
    %dma_start3A_11 = arith.constant 0 : i32
    %dma_start3A_12 = arith.constant 0 : i32
    %dma_start3A_13 = tpu.memref_slice %arg5[%dma_start3A_11, %dma_start3A_12] : memref<100000x16xi32, #tpu.memory_space<hbm>> -> memref<100000x16xi32, #tpu.memory_space<hbm>>
    tpu.enqueue_indirect_dma source(%dma_start3A_13 : memref<100000x16xi32, #tpu.memory_space<hbm>>) target(%arg14 : memref<128x16xi32, #tpu.memory_space<vmem>>) offsets(%arg11 : memref<128xi32, #tpu.memory_space<vmem>>) semaphore(%arg20 : memref<!tpu.dma_semaphore, #tpu.memory_space<semaphore_mem>>)
    "tpu.region"() ({
      %run_scoped3A = tpu.sem_alloc : memref<!tpu.dma_semaphore, #tpu.memory_space<semaphore_mem>>
      tpu.enqueue_dma source(%arg8 : memref<32x16xf32, #tpu.memory_space<hbm>>) target(%arg18 : memref<32x16xf32, #tpu.memory_space<vmem>>) target_semaphore(%run_scoped3A : memref<!tpu.dma_semaphore, #tpu.memory_space<semaphore_mem>>)
      tpu.wait_dma2 semaphore(%run_scoped3A : memref<!tpu.dma_semaphore, #tpu.memory_space<semaphore_mem>>) src(%arg8 : memref<32x16xf32, #tpu.memory_space<hbm>>) dst(%arg18 : memref<32x16xf32, #tpu.memory_space<vmem>>)
      tpu.yield
    }) : () -> ()
    %dma_wait3A = arith.constant 0 : i32
    %dma_wait3A_14 = arith.constant 0 : i32
    %dma_wait3A_15 = tpu.memref_slice %arg4[%dma_wait3A, %dma_wait3A_14] : memref<100000x16xi32, #tpu.memory_space<hbm>> -> memref<100000x16xi32, #tpu.memory_space<hbm>>
    tpu.wait_indirect_dma semaphore(%arg21 : memref<!tpu.dma_semaphore, #tpu.memory_space<semaphore_mem>>) src(%dma_wait3A_15 : memref<100000x16xi32, #tpu.memory_space<hbm>>) dst(%arg13 : memref<128x16xi32, #tpu.memory_space<vmem>>)
    %scan3A = arith.constant 0 : i32
    %scan3A_16 = arith.constant 0 : i32
    %scan3A_17 = arith.constant 128 : i32
    %scan3A_18 = arith.addi %scan3A_16, %scan3A_17 : i32
    %scan3A_19 = arith.constant 1 : i32
    scf.for %scan3A_42 = %scan3A_16 to %scan3A_18 step %scan3A_19  : i32 {
      %dma_start3A_43 = arith.constant 0 : i32
      %dma_start3A_44 = arith.constant 0 : i32
      %dma_start3A_45 = tpu.memref_slice %arg17[%scan3A_42, %dma_start3A_43, %dma_start3A_44] : memref<128x16x32xf32, #tpu.memory_space<vmem>> -> memref<1x16x32xf32, #tpu.memory_space<vmem>>
      %dma_start3A_46 = tpu.memref_squeeze %dma_start3A_45 : memref<1x16x32xf32, #tpu.memory_space<vmem>> -> memref<16x32xf32, #tpu.memory_space<vmem>>
      %dma_start3A_47 = arith.constant 0 : i32
      %dma_start3A_48 = tpu.memref_slice %arg13[%scan3A_42, %dma_start3A_47] : memref<128x16xi32, #tpu.memory_space<vmem>> -> memref<1x16xi32, #tpu.memory_space<vmem>>
      %dma_start3A_49 = tpu.memref_squeeze %dma_start3A_48 : memref<1x16xi32, #tpu.memory_space<vmem>> -> memref<16xi32, #tpu.memory_space<vmem>>
      %dma_start3A_50 = arith.constant 0 : i32
      %dma_start3A_51 = arith.constant 0 : i32
      %dma_start3A_52 = tpu.memref_slice %arg7[%dma_start3A_50, %dma_start3A_51] : memref<100000x32xf32, #tpu.memory_space<hbm>> -> memref<100000x32xf32, #tpu.memory_space<hbm>>
      tpu.enqueue_indirect_dma source(%dma_start3A_52 : memref<100000x32xf32, #tpu.memory_space<hbm>>) target(%dma_start3A_46 : memref<16x32xf32, #tpu.memory_space<vmem>>) offsets(%dma_start3A_49 : memref<16xi32, #tpu.memory_space<vmem>>) semaphore(%arg22 : memref<!tpu.dma_semaphore, #tpu.memory_space<semaphore_mem>>)
    }
    %scan3A_20 = arith.constant 128 : i32
    %dma_wait3A_21 = arith.constant 0 : i32
    %dma_wait3A_22 = arith.constant 0 : i32
    %dma_wait3A_23 = tpu.memref_slice %arg6[%dma_wait3A_21, %dma_wait3A_22] : memref<100000x32xf32, #tpu.memory_space<hbm>> -> memref<100000x32xf32, #tpu.memory_space<hbm>>
    tpu.wait_indirect_dma semaphore(%arg20 : memref<!tpu.dma_semaphore, #tpu.memory_space<semaphore_mem>>) src(%dma_wait3A_23 : memref<100000x32xf32, #tpu.memory_space<hbm>>) dst(%arg15 : memref<128x32xf32, #tpu.memory_space<vmem>>)
    %dma_wait3A_24 = arith.constant 0 : i32
    %dma_wait3A_25 = arith.constant 0 : i32
    %dma_wait3A_26 = tpu.memref_slice %arg7[%dma_wait3A_24, %dma_wait3A_25] : memref<100000x32xf32, #tpu.memory_space<hbm>> -> memref<100000x32xf32, #tpu.memory_space<hbm>>
    tpu.wait_indirect_dma semaphore(%arg20 : memref<!tpu.dma_semaphore, #tpu.memory_space<semaphore_mem>>) src(%dma_wait3A_26 : memref<100000x32xf32, #tpu.memory_space<hbm>>) dst(%arg16 : memref<128x32xf32, #tpu.memory_space<vmem>>)
    %dma_wait3A_27 = arith.constant 0 : i32
    %dma_wait3A_28 = arith.constant 0 : i32
    %dma_wait3A_29 = tpu.memref_slice %arg5[%dma_wait3A_27, %dma_wait3A_28] : memref<100000x16xi32, #tpu.memory_space<hbm>> -> memref<100000x16xi32, #tpu.memory_space<hbm>>
    tpu.wait_indirect_dma semaphore(%arg20 : memref<!tpu.dma_semaphore, #tpu.memory_space<semaphore_mem>>) src(%dma_wait3A_29 : memref<100000x16xi32, #tpu.memory_space<hbm>>) dst(%arg14 : memref<128x16xi32, #tpu.memory_space<vmem>>)
    %scan3A_30 = arith.constant 0 : i32
    %scan3A_31 = arith.constant 0 : i32
    %scan3A_32 = arith.constant 128 : i32
    %scan3A_33 = arith.addi %scan3A_31, %scan3A_32 : i32
    %scan3A_34 = arith.constant 1 : i32
    scf.for %scan3A_42 = %scan3A_31 to %scan3A_33 step %scan3A_34  : i32 {
      %dma_wait3A_43 = arith.constant 0 : i32
      %dma_wait3A_44 = arith.constant 0 : i32
      %dma_wait3A_45 = arith.constant 0 : i32
      %dma_wait3A_46 = arith.constant 0 : i32
      %dma_wait3A_47 = tpu.memref_slice %arg17[%dma_wait3A_44, %dma_wait3A_45, %dma_wait3A_46] : memref<128x16x32xf32, #tpu.memory_space<vmem>> -> memref<1x16x32xf32, #tpu.memory_space<vmem>>
      %dma_wait3A_48 = tpu.memref_squeeze %dma_wait3A_47 : memref<1x16x32xf32, #tpu.memory_space<vmem>> -> memref<16x32xf32, #tpu.memory_space<vmem>>
      %dma_wait3A_49 = arith.constant 0 : i32
      %dma_wait3A_50 = tpu.memref_slice %arg13[%dma_wait3A_43, %dma_wait3A_49] : memref<128x16xi32, #tpu.memory_space<vmem>> -> memref<1x16xi32, #tpu.memory_space<vmem>>
      %dma_wait3A_51 = tpu.memref_squeeze %dma_wait3A_50 : memref<1x16xi32, #tpu.memory_space<vmem>> -> memref<16xi32, #tpu.memory_space<vmem>>
      %dma_wait3A_52 = arith.constant 0 : i32
      %dma_wait3A_53 = arith.constant 0 : i32
      %dma_wait3A_54 = tpu.memref_slice %arg7[%dma_wait3A_52, %dma_wait3A_53] : memref<100000x32xf32, #tpu.memory_space<hbm>> -> memref<100000x32xf32, #tpu.memory_space<hbm>>
      tpu.wait_indirect_dma semaphore(%arg22 : memref<!tpu.dma_semaphore, #tpu.memory_space<semaphore_mem>>) src(%dma_wait3A_54 : memref<100000x32xf32, #tpu.memory_space<hbm>>) dst(%dma_wait3A_48 : memref<16x32xf32, #tpu.memory_space<vmem>>)
    }
    %scan3A_35 = arith.constant 128 : i32
    %scan3A_36 = arith.constant 0 : i32
    %scan3A_37 = arith.constant 0 : i32
    %scan3A_38 = arith.constant 128 : i32
    %scan3A_39 = arith.addi %scan3A_37, %scan3A_38 : i32
    %scan3A_40 = arith.constant 1 : i32
    scf.for %scan3A_42 = %scan3A_37 to %scan3A_39 step %scan3A_40  : i32 {
      %get3A = arith.index_cast %scan3A_42 : i32 to index
      %get3A_43 = arith.constant 0 : index
      %get3A_44 = tpu.vector_load %arg15[%get3A, %get3A_43] {strides = array<i32>} : memref<128x32xf32, #tpu.memory_space<vmem>>, vector<1x16xf32>,
      %get3A_45 = vector.shape_cast %get3A_44 : vector<1x16xf32> to vector<16xf32>
      %get3A_46 = arith.index_cast %scan3A_42 : i32 to index
      %get3A_47 = arith.constant 16 : index
      %get3A_48 = tpu.vector_load %arg15[%get3A_46, %get3A_47] {strides = array<i32>} : memref<128x32xf32, #tpu.memory_space<vmem>>, vector<1x16xf32>,
      %get3A_49 = vector.shape_cast %get3A_48 : vector<1x16xf32> to vector<16xf32>
      %broadcast_in_dim3A = arith.constant 0.000000e+00 : f32
      %broadcast_in_dim3A_50 = vector.broadcast %broadcast_in_dim3A : f32 to vector<16xf32>
      %slice3A = vector.extract_strided_slice %get3A_45 {offsets = [0], sizes = [1], strides = [1]} : vector<16xf32> to vector<1xf32>
      %squeeze3A = vector.extract %slice3A[0] : f32 from vector<1xf32>
      %get3A_51 = arith.constant 0 : i32
      %get3A_52 = arith.index_cast %get3A_51 : i32 to index
      %get3A_53 = arith.constant 0 : index
      %get3A_54 = tpu.vector_load %arg18[%get3A_52, %get3A_53] {strides = array<i32>} : memref<32x16xf32, #tpu.memory_space<vmem>>, vector<1x16xf32>,
      %get3A_55 = vector.shape_cast %get3A_54 : vector<1x16xf32> to vector<16xf32>
      %mul3A_56 = vector.broadcast %squeeze3A : f32 to vector<16xf32>
      %mul3A_57 = arith.mulf %mul3A_56, %get3A_55 : vector<16xf32>
      %add3A_58 = arith.addf %broadcast_in_dim3A_50, %mul3A_57 : vector<16xf32>
      %slice3A_59 = vector.extract_strided_slice %get3A_45 {offsets = [1], sizes = [1], strides = [1]} : vector<16xf32> to vector<1xf32>
      %squeeze3A_60 = vector.extract %slice3A_59[0] : f32 from vector<1xf32>
      %get3A_61 = arith.constant 1 : i32
      %get3A_62 = arith.index_cast %get3A_61 : i32 to index
      %get3A_63 = arith.constant 0 : index
      %get3A_64 = tpu.vector_load %arg18[%get3A_62, %get3A_63] {strides = array<i32>} : memref<32x16xf32, #tpu.memory_space<vmem>>, vector<1x16xf32>,
      %get3A_65 = vector.shape_cast %get3A_64 : vector<1x16xf32> to vector<16xf32>
      %mul3A_66 = vector.broadcast %squeeze3A_60 : f32 to vector<16xf32>
      %mul3A_67 = arith.mulf %mul3A_66, %get3A_65 : vector<16xf32>
      %add3A_68 = arith.addf %add3A_58, %mul3A_67 : vector<16xf32>
      %slice3A_69 = vector.extract_strided_slice %get3A_45 {offsets = [2], sizes = [1], strides = [1]} : vector<16xf32> to vector<1xf32>
      %squeeze3A_70 = vector.extract %slice3A_69[0] : f32 from vector<1xf32>
      %get3A_71 = arith.constant 2 : i32
      %get3A_72 = arith.index_cast %get3A_71 : i32 to index
      %get3A_73 = arith.constant 0 : index
      %get3A_74 = tpu.vector_load %arg18[%get3A_72, %get3A_73] {strides = array<i32>} : memref<32x16xf32, #tpu.memory_space<vmem>>, vector<1x16xf32>,
      %get3A_75 = vector.shape_cast %get3A_74 : vector<1x16xf32> to vector<16xf32>
      %mul3A_76 = vector.broadcast %squeeze3A_70 : f32 to vector<16xf32>
      %mul3A_77 = arith.mulf %mul3A_76, %get3A_75 : vector<16xf32>
      %add3A_78 = arith.addf %add3A_68, %mul3A_77 : vector<16xf32>
      %slice3A_79 = vector.extract_strided_slice %get3A_45 {offsets = [3], sizes = [1], strides = [1]} : vector<16xf32> to vector<1xf32>
      %squeeze3A_80 = vector.extract %slice3A_79[0] : f32 from vector<1xf32>
      %get3A_81 = arith.constant 3 : i32
      %get3A_82 = arith.index_cast %get3A_81 : i32 to index
      %get3A_83 = arith.constant 0 : index
      %get3A_84 = tpu.vector_load %arg18[%get3A_82, %get3A_83] {strides = array<i32>} : memref<32x16xf32, #tpu.memory_space<vmem>>, vector<1x16xf32>,
      %get3A_85 = vector.shape_cast %get3A_84 : vector<1x16xf32> to vector<16xf32>
      %mul3A_86 = vector.broadcast %squeeze3A_80 : f32 to vector<16xf32>
      %mul3A_87 = arith.mulf %mul3A_86, %get3A_85 : vector<16xf32>
      %add3A_88 = arith.addf %add3A_78, %mul3A_87 : vector<16xf32>
      %slice3A_89 = vector.extract_strided_slice %get3A_45 {offsets = [4], sizes = [1], strides = [1]} : vector<16xf32> to vector<1xf32>
      %squeeze3A_90 = vector.extract %slice3A_89[0] : f32 from vector<1xf32>
      %get3A_91 = arith.constant 4 : i32
      %get3A_92 = arith.index_cast %get3A_91 : i32 to index
      %get3A_93 = arith.constant 0 : index
      %get3A_94 = tpu.vector_load %arg18[%get3A_92, %get3A_93] {strides = array<i32>} : memref<32x16xf32, #tpu.memory_space<vmem>>, vector<1x16xf32>,
      %get3A_95 = vector.shape_cast %get3A_94 : vector<1x16xf32> to vector<16xf32>
      %mul3A_96 = vector.broadcast %squeeze3A_90 : f32 to vector<16xf32>
      %mul3A_97 = arith.mulf %mul3A_96, %get3A_95 : vector<16xf32>
      %add3A_98 = arith.addf %add3A_88, %mul3A_97 : vector<16xf32>
      %slice3A_99 = vector.extract_strided_slice %get3A_45 {offsets = [5], sizes = [1], strides = [1]} : vector<16xf32> to vector<1xf32>
      %squeeze3A_100 = vector.extract %slice3A_99[0] : f32 from vector<1xf32>
      %get3A_101 = arith.constant 5 : i32
      %get3A_102 = arith.index_cast %get3A_101 : i32 to index
      %get3A_103 = arith.constant 0 : index
      %get3A_104 = tpu.vector_load %arg18[%get3A_102, %get3A_103] {strides = array<i32>} : memref<32x16xf32, #tpu.memory_space<vmem>>, vector<1x16xf32>,
      %get3A_105 = vector.shape_cast %get3A_104 : vector<1x16xf32> to vector<16xf32>
      %mul3A_106 = vector.broadcast %squeeze3A_100 : f32 to vector<16xf32>
      %mul3A_107 = arith.mulf %mul3A_106, %get3A_105 : vector<16xf32>
      %add3A_108 = arith.addf %add3A_98, %mul3A_107 : vector<16xf32>
      %slice3A_109 = vector.extract_strided_slice %get3A_45 {offsets = [6], sizes = [1], strides = [1]} : vector<16xf32> to vector<1xf32>
      %squeeze3A_110 = vector.extract %slice3A_109[0] : f32 from vector<1xf32>
      %get3A_111 = arith.constant 6 : i32
      %get3A_112 = arith.index_cast %get3A_111 : i32 to index
      %get3A_113 = arith.constant 0 : index
      %get3A_114 = tpu.vector_load %arg18[%get3A_112, %get3A_113] {strides = array<i32>} : memref<32x16xf32, #tpu.memory_space<vmem>>, vector<1x16xf32>,
      %get3A_115 = vector.shape_cast %get3A_114 : vector<1x16xf32> to vector<16xf32>
      %mul3A_116 = vector.broadcast %squeeze3A_110 : f32 to vector<16xf32>
      %mul3A_117 = arith.mulf %mul3A_116, %get3A_115 : vector<16xf32>
      %add3A_118 = arith.addf %add3A_108, %mul3A_117 : vector<16xf32>
      %slice3A_119 = vector.extract_strided_slice %get3A_45 {offsets = [7], sizes = [1], strides = [1]} : vector<16xf32> to vector<1xf32>
      %squeeze3A_120 = vector.extract %slice3A_119[0] : f32 from vector<1xf32>
      %get3A_121 = arith.constant 7 : i32
      %get3A_122 = arith.index_cast %get3A_121 : i32 to index
      %get3A_123 = arith.constant 0 : index
      %get3A_124 = tpu.vector_load %arg18[%get3A_122, %get3A_123] {strides = array<i32>} : memref<32x16xf32, #tpu.memory_space<vmem>>, vector<1x16xf32>,
      %get3A_125 = vector.shape_cast %get3A_124 : vector<1x16xf32> to vector<16xf32>
      %mul3A_126 = vector.broadcast %squeeze3A_120 : f32 to vector<16xf32>
      %mul3A_127 = arith.mulf %mul3A_126, %get3A_125 : vector<16xf32>
      %add3A_128 = arith.addf %add3A_118, %mul3A_127 : vector<16xf32>
      %slice3A_129 = vector.extract_strided_slice %get3A_45 {offsets = [8], sizes = [1], strides = [1]} : vector<16xf32> to vector<1xf32>
      %squeeze3A_130 = vector.extract %slice3A_129[0] : f32 from vector<1xf32>
      %get3A_131 = arith.constant 8 : i32
      %get3A_132 = arith.index_cast %get3A_131 : i32 to index
      %get3A_133 = arith.constant 0 : index
      %get3A_134 = tpu.vector_load %arg18[%get3A_132, %get3A_133] {strides = array<i32>} : memref<32x16xf32, #tpu.memory_space<vmem>>, vector<1x16xf32>,
      %get3A_135 = vector.shape_cast %get3A_134 : vector<1x16xf32> to vector<16xf32>
      %mul3A_136 = vector.broadcast %squeeze3A_130 : f32 to vector<16xf32>
      %mul3A_137 = arith.mulf %mul3A_136, %get3A_135 : vector<16xf32>
      %add3A_138 = arith.addf %add3A_128, %mul3A_137 : vector<16xf32>
      %slice3A_139 = vector.extract_strided_slice %get3A_45 {offsets = [9], sizes = [1], strides = [1]} : vector<16xf32> to vector<1xf32>
      %squeeze3A_140 = vector.extract %slice3A_139[0] : f32 from vector<1xf32>
      %get3A_141 = arith.constant 9 : i32
      %get3A_142 = arith.index_cast %get3A_141 : i32 to index
      %get3A_143 = arith.constant 0 : index
      %get3A_144 = tpu.vector_load %arg18[%get3A_142, %get3A_143] {strides = array<i32>} : memref<32x16xf32, #tpu.memory_space<vmem>>, vector<1x16xf32>,
      %get3A_145 = vector.shape_cast %get3A_144 : vector<1x16xf32> to vector<16xf32>
      %mul3A_146 = vector.broadcast %squeeze3A_140 : f32 to vector<16xf32>
      %mul3A_147 = arith.mulf %mul3A_146, %get3A_145 : vector<16xf32>
      %add3A_148 = arith.addf %add3A_138, %mul3A_147 : vector<16xf32>
      %slice3A_149 = vector.extract_strided_slice %get3A_45 {offsets = [10], sizes = [1], strides = [1]} : vector<16xf32> to vector<1xf32>
      %squeeze3A_150 = vector.extract %slice3A_149[0] : f32 from vector<1xf32>
      %get3A_151 = arith.constant 10 : i32
      %get3A_152 = arith.index_cast %get3A_151 : i32 to index
      %get3A_153 = arith.constant 0 : index
      %get3A_154 = tpu.vector_load %arg18[%get3A_152, %get3A_153] {strides = array<i32>} : memref<32x16xf32, #tpu.memory_space<vmem>>, vector<1x16xf32>,
      %get3A_155 = vector.shape_cast %get3A_154 : vector<1x16xf32> to vector<16xf32>
      %mul3A_156 = vector.broadcast %squeeze3A_150 : f32 to vector<16xf32>
      %mul3A_157 = arith.mulf %mul3A_156, %get3A_155 : vector<16xf32>
      %add3A_158 = arith.addf %add3A_148, %mul3A_157 : vector<16xf32>
      %slice3A_159 = vector.extract_strided_slice %get3A_45 {offsets = [11], sizes = [1], strides = [1]} : vector<16xf32> to vector<1xf32>
      %squeeze3A_160 = vector.extract %slice3A_159[0] : f32 from vector<1xf32>
      %get3A_161 = arith.constant 11 : i32
      %get3A_162 = arith.index_cast %get3A_161 : i32 to index
      %get3A_163 = arith.constant 0 : index
      %get3A_164 = tpu.vector_load %arg18[%get3A_162, %get3A_163] {strides = array<i32>} : memref<32x16xf32, #tpu.memory_space<vmem>>, vector<1x16xf32>,
      %get3A_165 = vector.shape_cast %get3A_164 : vector<1x16xf32> to vector<16xf32>
      %mul3A_166 = vector.broadcast %squeeze3A_160 : f32 to vector<16xf32>
      %mul3A_167 = arith.mulf %mul3A_166, %get3A_165 : vector<16xf32>
      %add3A_168 = arith.addf %add3A_158, %mul3A_167 : vector<16xf32>
      %slice3A_169 = vector.extract_strided_slice %get3A_45 {offsets = [12], sizes = [1], strides = [1]} : vector<16xf32> to vector<1xf32>
      %squeeze3A_170 = vector.extract %slice3A_169[0] : f32 from vector<1xf32>
      %get3A_171 = arith.constant 12 : i32
      %get3A_172 = arith.index_cast %get3A_171 : i32 to index
      %get3A_173 = arith.constant 0 : index
      %get3A_174 = tpu.vector_load %arg18[%get3A_172, %get3A_173] {strides = array<i32>} : memref<32x16xf32, #tpu.memory_space<vmem>>, vector<1x16xf32>,
      %get3A_175 = vector.shape_cast %get3A_174 : vector<1x16xf32> to vector<16xf32>
      %mul3A_176 = vector.broadcast %squeeze3A_170 : f32 to vector<16xf32>
      %mul3A_177 = arith.mulf %mul3A_176, %get3A_175 : vector<16xf32>
      %add3A_178 = arith.addf %add3A_168, %mul3A_177 : vector<16xf32>
      %slice3A_179 = vector.extract_strided_slice %get3A_45 {offsets = [13], sizes = [1], strides = [1]} : vector<16xf32> to vector<1xf32>
      %squeeze3A_180 = vector.extract %slice3A_179[0] : f32 from vector<1xf32>
      %get3A_181 = arith.constant 13 : i32
      %get3A_182 = arith.index_cast %get3A_181 : i32 to index
      %get3A_183 = arith.constant 0 : index
      %get3A_184 = tpu.vector_load %arg18[%get3A_182, %get3A_183] {strides = array<i32>} : memref<32x16xf32, #tpu.memory_space<vmem>>, vector<1x16xf32>,
      %get3A_185 = vector.shape_cast %get3A_184 : vector<1x16xf32> to vector<16xf32>
      %mul3A_186 = vector.broadcast %squeeze3A_180 : f32 to vector<16xf32>
      %mul3A_187 = arith.mulf %mul3A_186, %get3A_185 : vector<16xf32>
      %add3A_188 = arith.addf %add3A_178, %mul3A_187 : vector<16xf32>
      %slice3A_189 = vector.extract_strided_slice %get3A_45 {offsets = [14], sizes = [1], strides = [1]} : vector<16xf32> to vector<1xf32>
      %squeeze3A_190 = vector.extract %slice3A_189[0] : f32 from vector<1xf32>
      %get3A_191 = arith.constant 14 : i32
      %get3A_192 = arith.index_cast %get3A_191 : i32 to index
      %get3A_193 = arith.constant 0 : index
      %get3A_194 = tpu.vector_load %arg18[%get3A_192, %get3A_193] {strides = array<i32>} : memref<32x16xf32, #tpu.memory_space<vmem>>, vector<1x16xf32>,
      %get3A_195 = vector.shape_cast %get3A_194 : vector<1x16xf32> to vector<16xf32>
      %mul3A_196 = vector.broadcast %squeeze3A_190 : f32 to vector<16xf32>
      %mul3A_197 = arith.mulf %mul3A_196, %get3A_195 : vector<16xf32>
      %add3A_198 = arith.addf %add3A_188, %mul3A_197 : vector<16xf32>
      %slice3A_199 = vector.extract_strided_slice %get3A_45 {offsets = [15], sizes = [1], strides = [1]} : vector<16xf32> to vector<1xf32>
      %squeeze3A_200 = vector.extract %slice3A_199[0] : f32 from vector<1xf32>
      %get3A_201 = arith.constant 15 : i32
      %get3A_202 = arith.index_cast %get3A_201 : i32 to index
      %get3A_203 = arith.constant 0 : index
      %get3A_204 = tpu.vector_load %arg18[%get3A_202, %get3A_203] {strides = array<i32>} : memref<32x16xf32, #tpu.memory_space<vmem>>, vector<1x16xf32>,
      %get3A_205 = vector.shape_cast %get3A_204 : vector<1x16xf32> to vector<16xf32>
      %mul3A_206 = vector.broadcast %squeeze3A_200 : f32 to vector<16xf32>
      %mul3A_207 = arith.mulf %mul3A_206, %get3A_205 : vector<16xf32>
      %add3A_208 = arith.addf %add3A_198, %mul3A_207 : vector<16xf32>
      %slice3A_209 = vector.extract_strided_slice %get3A_49 {offsets = [0], sizes = [1], strides = [1]} : vector<16xf32> to vector<1xf32>
      %squeeze3A_210 = vector.extract %slice3A_209[0] : f32 from vector<1xf32>
      %get3A_211 = arith.constant 16 : i32
      %get3A_212 = arith.index_cast %get3A_211 : i32 to index
      %get3A_213 = arith.constant 0 : index
      %get3A_214 = tpu.vector_load %arg18[%get3A_212, %get3A_213] {strides = array<i32>} : memref<32x16xf32, #tpu.memory_space<vmem>>, vector<1x16xf32>,
      %get3A_215 = vector.shape_cast %get3A_214 : vector<1x16xf32> to vector<16xf32>
      %mul3A_216 = vector.broadcast %squeeze3A_210 : f32 to vector<16xf32>
      %mul3A_217 = arith.mulf %mul3A_216, %get3A_215 : vector<16xf32>
      %add3A_218 = arith.addf %add3A_208, %mul3A_217 : vector<16xf32>
      %slice3A_219 = vector.extract_strided_slice %get3A_49 {offsets = [1], sizes = [1], strides = [1]} : vector<16xf32> to vector<1xf32>
      %squeeze3A_220 = vector.extract %slice3A_219[0] : f32 from vector<1xf32>
      %get3A_221 = arith.constant 17 : i32
      %get3A_222 = arith.index_cast %get3A_221 : i32 to index
      %get3A_223 = arith.constant 0 : index
      %get3A_224 = tpu.vector_load %arg18[%get3A_222, %get3A_223] {strides = array<i32>} : memref<32x16xf32, #tpu.memory_space<vmem>>, vector<1x16xf32>,
      %get3A_225 = vector.shape_cast %get3A_224 : vector<1x16xf32> to vector<16xf32>
      %mul3A_226 = vector.broadcast %squeeze3A_220 : f32 to vector<16xf32>
      %mul3A_227 = arith.mulf %mul3A_226, %get3A_225 : vector<16xf32>
      %add3A_228 = arith.addf %add3A_218, %mul3A_227 : vector<16xf32>
      %slice3A_229 = vector.extract_strided_slice %get3A_49 {offsets = [2], sizes = [1], strides = [1]} : vector<16xf32> to vector<1xf32>
      %squeeze3A_230 = vector.extract %slice3A_229[0] : f32 from vector<1xf32>
      %get3A_231 = arith.constant 18 : i32
      %get3A_232 = arith.index_cast %get3A_231 : i32 to index
      %get3A_233 = arith.constant 0 : index
      %get3A_234 = tpu.vector_load %arg18[%get3A_232, %get3A_233] {strides = array<i32>} : memref<32x16xf32, #tpu.memory_space<vmem>>, vector<1x16xf32>,
      %get3A_235 = vector.shape_cast %get3A_234 : vector<1x16xf32> to vector<16xf32>
      %mul3A_236 = vector.broadcast %squeeze3A_230 : f32 to vector<16xf32>
      %mul3A_237 = arith.mulf %mul3A_236, %get3A_235 : vector<16xf32>
      %add3A_238 = arith.addf %add3A_228, %mul3A_237 : vector<16xf32>
      %slice3A_239 = vector.extract_strided_slice %get3A_49 {offsets = [3], sizes = [1], strides = [1]} : vector<16xf32> to vector<1xf32>
      %squeeze3A_240 = vector.extract %slice3A_239[0] : f32 from vector<1xf32>
      %get3A_241 = arith.constant 19 : i32
      %get3A_242 = arith.index_cast %get3A_241 : i32 to index
      %get3A_243 = arith.constant 0 : index
      %get3A_244 = tpu.vector_load %arg18[%get3A_242, %get3A_243] {strides = array<i32>} : memref<32x16xf32, #tpu.memory_space<vmem>>, vector<1x16xf32>,
      %get3A_245 = vector.shape_cast %get3A_244 : vector<1x16xf32> to vector<16xf32>
      %mul3A_246 = vector.broadcast %squeeze3A_240 : f32 to vector<16xf32>
      %mul3A_247 = arith.mulf %mul3A_246, %get3A_245 : vector<16xf32>
      %add3A_248 = arith.addf %add3A_238, %mul3A_247 : vector<16xf32>
      %slice3A_249 = vector.extract_strided_slice %get3A_49 {offsets = [4], sizes = [1], strides = [1]} : vector<16xf32> to vector<1xf32>
      %squeeze3A_250 = vector.extract %slice3A_249[0] : f32 from vector<1xf32>
      %get3A_251 = arith.constant 20 : i32
      %get3A_252 = arith.index_cast %get3A_251 : i32 to index
      %get3A_253 = arith.constant 0 : index
      %get3A_254 = tpu.vector_load %arg18[%get3A_252, %get3A_253] {strides = array<i32>} : memref<32x16xf32, #tpu.memory_space<vmem>>, vector<1x16xf32>,
      %get3A_255 = vector.shape_cast %get3A_254 : vector<1x16xf32> to vector<16xf32>
      %mul3A_256 = vector.broadcast %squeeze3A_250 : f32 to vector<16xf32>
      %mul3A_257 = arith.mulf %mul3A_256, %get3A_255 : vector<16xf32>
      %add3A_258 = arith.addf %add3A_248, %mul3A_257 : vector<16xf32>
      %slice3A_259 = vector.extract_strided_slice %get3A_49 {offsets = [5], sizes = [1], strides = [1]} : vector<16xf32> to vector<1xf32>
      %squeeze3A_260 = vector.extract %slice3A_259[0] : f32 from vector<1xf32>
      %get3A_261 = arith.constant 21 : i32
      %get3A_262 = arith.index_cast %get3A_261 : i32 to index
      %get3A_263 = arith.constant 0 : index
      %get3A_264 = tpu.vector_load %arg18[%get3A_262, %get3A_263] {strides = array<i32>} : memref<32x16xf32, #tpu.memory_space<vmem>>, vector<1x16xf32>,
      %get3A_265 = vector.shape_cast %get3A_264 : vector<1x16xf32> to vector<16xf32>
      %mul3A_266 = vector.broadcast %squeeze3A_260 : f32 to vector<16xf32>
      %mul3A_267 = arith.mulf %mul3A_266, %get3A_265 : vector<16xf32>
      %add3A_268 = arith.addf %add3A_258, %mul3A_267 : vector<16xf32>
      %slice3A_269 = vector.extract_strided_slice %get3A_49 {offsets = [6], sizes = [1], strides = [1]} : vector<16xf32> to vector<1xf32>
      %squeeze3A_270 = vector.extract %slice3A_269[0] : f32 from vector<1xf32>
      %get3A_271 = arith.constant 22 : i32
      %get3A_272 = arith.index_cast %get3A_271 : i32 to index
      %get3A_273 = arith.constant 0 : index
      %get3A_274 = tpu.vector_load %arg18[%get3A_272, %get3A_273] {strides = array<i32>} : memref<32x16xf32, #tpu.memory_space<vmem>>, vector<1x16xf32>,
      %get3A_275 = vector.shape_cast %get3A_274 : vector<1x16xf32> to vector<16xf32>
      %mul3A_276 = vector.broadcast %squeeze3A_270 : f32 to vector<16xf32>
      %mul3A_277 = arith.mulf %mul3A_276, %get3A_275 : vector<16xf32>
      %add3A_278 = arith.addf %add3A_268, %mul3A_277 : vector<16xf32>
      %slice3A_279 = vector.extract_strided_slice %get3A_49 {offsets = [7], sizes = [1], strides = [1]} : vector<16xf32> to vector<1xf32>
      %squeeze3A_280 = vector.extract %slice3A_279[0] : f32 from vector<1xf32>
      %get3A_281 = arith.constant 23 : i32
      %get3A_282 = arith.index_cast %get3A_281 : i32 to index
      %get3A_283 = arith.constant 0 : index
      %get3A_284 = tpu.vector_load %arg18[%get3A_282, %get3A_283] {strides = array<i32>} : memref<32x16xf32, #tpu.memory_space<vmem>>, vector<1x16xf32>,
      %get3A_285 = vector.shape_cast %get3A_284 : vector<1x16xf32> to vector<16xf32>
      %mul3A_286 = vector.broadcast %squeeze3A_280 : f32 to vector<16xf32>
      %mul3A_287 = arith.mulf %mul3A_286, %get3A_285 : vector<16xf32>
      %add3A_288 = arith.addf %add3A_278, %mul3A_287 : vector<16xf32>
      %slice3A_289 = vector.extract_strided_slice %get3A_49 {offsets = [8], sizes = [1], strides = [1]} : vector<16xf32> to vector<1xf32>
      %squeeze3A_290 = vector.extract %slice3A_289[0] : f32 from vector<1xf32>
      %get3A_291 = arith.constant 24 : i32
      %get3A_292 = arith.index_cast %get3A_291 : i32 to index
      %get3A_293 = arith.constant 0 : index
      %get3A_294 = tpu.vector_load %arg18[%get3A_292, %get3A_293] {strides = array<i32>} : memref<32x16xf32, #tpu.memory_space<vmem>>, vector<1x16xf32>,
      %get3A_295 = vector.shape_cast %get3A_294 : vector<1x16xf32> to vector<16xf32>
      %mul3A_296 = vector.broadcast %squeeze3A_290 : f32 to vector<16xf32>
      %mul3A_297 = arith.mulf %mul3A_296, %get3A_295 : vector<16xf32>
      %add3A_298 = arith.addf %add3A_288, %mul3A_297 : vector<16xf32>
      %slice3A_299 = vector.extract_strided_slice %get3A_49 {offsets = [9], sizes = [1], strides = [1]} : vector<16xf32> to vector<1xf32>
      %squeeze3A_300 = vector.extract %slice3A_299[0] : f32 from vector<1xf32>
      %get3A_301 = arith.constant 25 : i32
      %get3A_302 = arith.index_cast %get3A_301 : i32 to index
      %get3A_303 = arith.constant 0 : index
      %get3A_304 = tpu.vector_load %arg18[%get3A_302, %get3A_303] {strides = array<i32>} : memref<32x16xf32, #tpu.memory_space<vmem>>, vector<1x16xf32>,
      %get3A_305 = vector.shape_cast %get3A_304 : vector<1x16xf32> to vector<16xf32>
      %mul3A_306 = vector.broadcast %squeeze3A_300 : f32 to vector<16xf32>
      %mul3A_307 = arith.mulf %mul3A_306, %get3A_305 : vector<16xf32>
      %add3A_308 = arith.addf %add3A_298, %mul3A_307 : vector<16xf32>
      %slice3A_309 = vector.extract_strided_slice %get3A_49 {offsets = [10], sizes = [1], strides = [1]} : vector<16xf32> to vector<1xf32>
      %squeeze3A_310 = vector.extract %slice3A_309[0] : f32 from vector<1xf32>
      %get3A_311 = arith.constant 26 : i32
      %get3A_312 = arith.index_cast %get3A_311 : i32 to index
      %get3A_313 = arith.constant 0 : index
      %get3A_314 = tpu.vector_load %arg18[%get3A_312, %get3A_313] {strides = array<i32>} : memref<32x16xf32, #tpu.memory_space<vmem>>, vector<1x16xf32>,
      %get3A_315 = vector.shape_cast %get3A_314 : vector<1x16xf32> to vector<16xf32>
      %mul3A_316 = vector.broadcast %squeeze3A_310 : f32 to vector<16xf32>
      %mul3A_317 = arith.mulf %mul3A_316, %get3A_315 : vector<16xf32>
      %add3A_318 = arith.addf %add3A_308, %mul3A_317 : vector<16xf32>
      %slice3A_319 = vector.extract_strided_slice %get3A_49 {offsets = [11], sizes = [1], strides = [1]} : vector<16xf32> to vector<1xf32>
      %squeeze3A_320 = vector.extract %slice3A_319[0] : f32 from vector<1xf32>
      %get3A_321 = arith.constant 27 : i32
      %get3A_322 = arith.index_cast %get3A_321 : i32 to index
      %get3A_323 = arith.constant 0 : index
      %get3A_324 = tpu.vector_load %arg18[%get3A_322, %get3A_323] {strides = array<i32>} : memref<32x16xf32, #tpu.memory_space<vmem>>, vector<1x16xf32>,
      %get3A_325 = vector.shape_cast %get3A_324 : vector<1x16xf32> to vector<16xf32>
      %mul3A_326 = vector.broadcast %squeeze3A_320 : f32 to vector<16xf32>
      %mul3A_327 = arith.mulf %mul3A_326, %get3A_325 : vector<16xf32>
      %add3A_328 = arith.addf %add3A_318, %mul3A_327 : vector<16xf32>
      %slice3A_329 = vector.extract_strided_slice %get3A_49 {offsets = [12], sizes = [1], strides = [1]} : vector<16xf32> to vector<1xf32>
      %squeeze3A_330 = vector.extract %slice3A_329[0] : f32 from vector<1xf32>
      %get3A_331 = arith.constant 28 : i32
      %get3A_332 = arith.index_cast %get3A_331 : i32 to index
      %get3A_333 = arith.constant 0 : index
      %get3A_334 = tpu.vector_load %arg18[%get3A_332, %get3A_333] {strides = array<i32>} : memref<32x16xf32, #tpu.memory_space<vmem>>, vector<1x16xf32>,
      %get3A_335 = vector.shape_cast %get3A_334 : vector<1x16xf32> to vector<16xf32>
      %mul3A_336 = vector.broadcast %squeeze3A_330 : f32 to vector<16xf32>
      %mul3A_337 = arith.mulf %mul3A_336, %get3A_335 : vector<16xf32>
      %add3A_338 = arith.addf %add3A_328, %mul3A_337 : vector<16xf32>
      %slice3A_339 = vector.extract_strided_slice %get3A_49 {offsets = [13], sizes = [1], strides = [1]} : vector<16xf32> to vector<1xf32>
      %squeeze3A_340 = vector.extract %slice3A_339[0] : f32 from vector<1xf32>
      %get3A_341 = arith.constant 29 : i32
      %get3A_342 = arith.index_cast %get3A_341 : i32 to index
      %get3A_343 = arith.constant 0 : index
      %get3A_344 = tpu.vector_load %arg18[%get3A_342, %get3A_343] {strides = array<i32>} : memref<32x16xf32, #tpu.memory_space<vmem>>, vector<1x16xf32>,
      %get3A_345 = vector.shape_cast %get3A_344 : vector<1x16xf32> to vector<16xf32>
      %mul3A_346 = vector.broadcast %squeeze3A_340 : f32 to vector<16xf32>
      %mul3A_347 = arith.mulf %mul3A_346, %get3A_345 : vector<16xf32>
      %add3A_348 = arith.addf %add3A_338, %mul3A_347 : vector<16xf32>
      %slice3A_349 = vector.extract_strided_slice %get3A_49 {offsets = [14], sizes = [1], strides = [1]} : vector<16xf32> to vector<1xf32>
      %squeeze3A_350 = vector.extract %slice3A_349[0] : f32 from vector<1xf32>
      %get3A_351 = arith.constant 30 : i32
      %get3A_352 = arith.index_cast %get3A_351 : i32 to index
      %get3A_353 = arith.constant 0 : index
      %get3A_354 = tpu.vector_load %arg18[%get3A_352, %get3A_353] {strides = array<i32>} : memref<32x16xf32, #tpu.memory_space<vmem>>, vector<1x16xf32>,
      %get3A_355 = vector.shape_cast %get3A_354 : vector<1x16xf32> to vector<16xf32>
      %mul3A_356 = vector.broadcast %squeeze3A_350 : f32 to vector<16xf32>
      %mul3A_357 = arith.mulf %mul3A_356, %get3A_355 : vector<16xf32>
      %add3A_358 = arith.addf %add3A_348, %mul3A_357 : vector<16xf32>
      %slice3A_359 = vector.extract_strided_slice %get3A_49 {offsets = [15], sizes = [1], strides = [1]} : vector<16xf32> to vector<1xf32>
      %squeeze3A_360 = vector.extract %slice3A_359[0] : f32 from vector<1xf32>
      %get3A_361 = arith.constant 31 : i32
      %get3A_362 = arith.index_cast %get3A_361 : i32 to index
      %get3A_363 = arith.constant 0 : index
      %get3A_364 = tpu.vector_load %arg18[%get3A_362, %get3A_363] {strides = array<i32>} : memref<32x16xf32, #tpu.memory_space<vmem>>, vector<1x16xf32>,
      %get3A_365 = vector.shape_cast %get3A_364 : vector<1x16xf32> to vector<16xf32>
      %mul3A_366 = vector.broadcast %squeeze3A_360 : f32 to vector<16xf32>
      %mul3A_367 = arith.mulf %mul3A_366, %get3A_365 : vector<16xf32>
      %add3A_368 = arith.addf %add3A_358, %mul3A_367 : vector<16xf32>
      %get3A_369 = arith.index_cast %scan3A_42 : i32 to index
      %get3A_370 = arith.constant 0 : index
      %get3A_371 = tpu.vector_load %arg14[%get3A_369, %get3A_370] {strides = array<i32>} : memref<128x16xi32, #tpu.memory_space<vmem>>, vector<1x16xi32>,
      %get3A_372 = vector.shape_cast %get3A_371 : vector<1x16xi32> to vector<16xi32>
      %broadcast_in_dim3A_373 = vector.shape_cast %get3A_372 : vector<16xi32> to vector<16x1xi32>
      %gather3A = vector.shape_cast %broadcast_in_dim3A_373 : vector<16x1xi32> to vector<16xi32>
      %gather3A_374 = tpu.dynamic_gather %add3A_368[%gather3A] in [0] : vector<16xf32>, vector<16xi32> -> vector<16xf32>
      %iota3A = tpu.iota {dimensions = array<i32: 0>} : vector<16xi32>
      %xor3A = arith.constant 1 : i32
      %xor3A_375 = vector.broadcast %xor3A : i32 to vector<16xi32>
      %xor3A_376 = arith.xori %iota3A, %xor3A_375 : vector<16xi32>
      %broadcast_in_dim3A_377 = vector.shape_cast %xor3A_376 : vector<16xi32> to vector<16x1xi32>
      %gather3A_378 = vector.shape_cast %broadcast_in_dim3A_377 : vector<16x1xi32> to vector<16xi32>
      %gather3A_379 = tpu.dynamic_gather %gather3A_374[%gather3A_378] in [0] : vector<16xf32>, vector<16xi32> -> vector<16xf32>
      %max3A = arith.maximumf %gather3A_374, %gather3A_379 : vector<16xf32>
      %xor3A_380 = arith.constant 2 : i32
      %xor3A_381 = vector.broadcast %xor3A_380 : i32 to vector<16xi32>
      %xor3A_382 = arith.xori %iota3A, %xor3A_381 : vector<16xi32>
      %broadcast_in_dim3A_383 = vector.shape_cast %xor3A_382 : vector<16xi32> to vector<16x1xi32>
      %gather3A_384 = vector.shape_cast %broadcast_in_dim3A_383 : vector<16x1xi32> to vector<16xi32>
      %gather3A_385 = tpu.dynamic_gather %max3A[%gather3A_384] in [0] : vector<16xf32>, vector<16xi32> -> vector<16xf32>
      %max3A_386 = arith.maximumf %max3A, %gather3A_385 : vector<16xf32>
      %xor3A_387 = arith.constant 4 : i32
      %xor3A_388 = vector.broadcast %xor3A_387 : i32 to vector<16xi32>
      %xor3A_389 = arith.xori %iota3A, %xor3A_388 : vector<16xi32>
      %broadcast_in_dim3A_390 = vector.shape_cast %xor3A_389 : vector<16xi32> to vector<16x1xi32>
      %gather3A_391 = vector.shape_cast %broadcast_in_dim3A_390 : vector<16x1xi32> to vector<16xi32>
      %gather3A_392 = tpu.dynamic_gather %max3A_386[%gather3A_391] in [0] : vector<16xf32>, vector<16xi32> -> vector<16xf32>
      %max3A_393 = arith.maximumf %max3A_386, %gather3A_392 : vector<16xf32>
      %xor3A_394 = arith.constant 8 : i32
      %xor3A_395 = vector.broadcast %xor3A_394 : i32 to vector<16xi32>
      %xor3A_396 = arith.xori %iota3A, %xor3A_395 : vector<16xi32>
      %broadcast_in_dim3A_397 = vector.shape_cast %xor3A_396 : vector<16xi32> to vector<16x1xi32>
      %gather3A_398 = vector.shape_cast %broadcast_in_dim3A_397 : vector<16x1xi32> to vector<16xi32>
      %gather3A_399 = tpu.dynamic_gather %max3A_393[%gather3A_398] in [0] : vector<16xf32>, vector<16xi32> -> vector<16xf32>
      %max3A_400 = arith.maximumf %max3A_393, %gather3A_399 : vector<16xf32>
      %sub3A = arith.subf %gather3A_374, %max3A_400 : vector<16xf32>
      %exp3A = math.exp %sub3A : vector<16xf32>
      %iota3A_401 = tpu.iota {dimensions = array<i32: 0>} : vector<16xi32>
      %xor3A_402 = arith.constant 1 : i32
      %xor3A_403 = vector.broadcast %xor3A_402 : i32 to vector<16xi32>
      %xor3A_404 = arith.xori %iota3A_401, %xor3A_403 : vector<16xi32>
      %broadcast_in_dim3A_405 = vector.shape_cast %xor3A_404 : vector<16xi32> to vector<16x1xi32>
      %gather3A_406 = vector.shape_cast %broadcast_in_dim3A_405 : vector<16x1xi32> to vector<16xi32>
      %gather3A_407 = tpu.dynamic_gather %exp3A[%gather3A_406] in [0] : vector<16xf32>, vector<16xi32> -> vector<16xf32>
      %add3A_408 = arith.addf %exp3A, %gather3A_407 : vector<16xf32>
      %xor3A_409 = arith.constant 2 : i32
      %xor3A_410 = vector.broadcast %xor3A_409 : i32 to vector<16xi32>
      %xor3A_411 = arith.xori %iota3A_401, %xor3A_410 : vector<16xi32>
      %broadcast_in_dim3A_412 = vector.shape_cast %xor3A_411 : vector<16xi32> to vector<16x1xi32>
      %gather3A_413 = vector.shape_cast %broadcast_in_dim3A_412 : vector<16x1xi32> to vector<16xi32>
      %gather3A_414 = tpu.dynamic_gather %add3A_408[%gather3A_413] in [0] : vector<16xf32>, vector<16xi32> -> vector<16xf32>
      %add3A_415 = arith.addf %add3A_408, %gather3A_414 : vector<16xf32>
      %xor3A_416 = arith.constant 4 : i32
      %xor3A_417 = vector.broadcast %xor3A_416 : i32 to vector<16xi32>
      %xor3A_418 = arith.xori %iota3A_401, %xor3A_417 : vector<16xi32>
      %broadcast_in_dim3A_419 = vector.shape_cast %xor3A_418 : vector<16xi32> to vector<16x1xi32>
      %gather3A_420 = vector.shape_cast %broadcast_in_dim3A_419 : vector<16x1xi32> to vector<16xi32>
      %gather3A_421 = tpu.dynamic_gather %add3A_415[%gather3A_420] in [0] : vector<16xf32>, vector<16xi32> -> vector<16xf32>
      %add3A_422 = arith.addf %add3A_415, %gather3A_421 : vector<16xf32>
      %xor3A_423 = arith.constant 8 : i32
      %xor3A_424 = vector.broadcast %xor3A_423 : i32 to vector<16xi32>
      %xor3A_425 = arith.xori %iota3A_401, %xor3A_424 : vector<16xi32>
      %broadcast_in_dim3A_426 = vector.shape_cast %xor3A_425 : vector<16xi32> to vector<16x1xi32>
      %gather3A_427 = vector.shape_cast %broadcast_in_dim3A_426 : vector<16x1xi32> to vector<16xi32>
      %gather3A_428 = tpu.dynamic_gather %add3A_422[%gather3A_427] in [0] : vector<16xf32>, vector<16xi32> -> vector<16xf32>
      %add3A_429 = arith.addf %add3A_422, %gather3A_428 : vector<16xf32>
      %div3A = arith.divf %exp3A, %add3A_429 : vector<16xf32>
      %get3A_430 = arith.index_cast %scan3A_42 : i32 to index
      %get3A_431 = arith.constant 0 : index
      %get3A_432 = tpu.vector_load %arg16[%get3A_430, %get3A_431] {strides = array<i32>} : memref<128x32xf32, #tpu.memory_space<vmem>>, vector<1x16xf32>,
      %get3A_433 = vector.shape_cast %get3A_432 : vector<1x16xf32> to vector<16xf32>
      %get3A_434 = arith.index_cast %scan3A_42 : i32 to index
      %get3A_435 = arith.constant 16 : index
      %get3A_436 = tpu.vector_load %arg16[%get3A_434, %get3A_435] {strides = array<i32>} : memref<128x32xf32, #tpu.memory_space<vmem>>, vector<1x16xf32>,
      %get3A_437 = vector.shape_cast %get3A_436 : vector<1x16xf32> to vector<16xf32>
      %slice3A_438 = vector.extract_strided_slice %div3A {offsets = [0], sizes = [1], strides = [1]} : vector<16xf32> to vector<1xf32>
      %squeeze3A_439 = vector.extract %slice3A_438[0] : f32 from vector<1xf32>
      %get3A_440 = arith.constant 0 : i32
      %get3A_441 = arith.index_cast %scan3A_42 : i32 to index
      %get3A_442 = arith.index_cast %get3A_440 : i32 to index
      %get3A_443 = arith.constant 0 : index
      %get3A_444 = tpu.vector_load %arg17[%get3A_441, %get3A_442, %get3A_443] {strides = array<i32>} : memref<128x16x32xf32, #tpu.memory_space<vmem>>, vector<1x1x16xf32>,
      %get3A_445 = vector.shape_cast %get3A_444 : vector<1x1x16xf32> to vector<16xf32>
      %mul3A_446 = vector.broadcast %squeeze3A_439 : f32 to vector<16xf32>
      %mul3A_447 = arith.mulf %mul3A_446, %get3A_445 : vector<16xf32>
      %add3A_448 = arith.addf %get3A_433, %mul3A_447 : vector<16xf32>
      %get3A_449 = arith.constant 0 : i32
      %get3A_450 = arith.index_cast %scan3A_42 : i32 to index
      %get3A_451 = arith.index_cast %get3A_449 : i32 to index
      %get3A_452 = arith.constant 16 : index
      %get3A_453 = tpu.vector_load %arg17[%get3A_450, %get3A_451, %get3A_452] {strides = array<i32>} : memref<128x16x32xf32, #tpu.memory_space<vmem>>, vector<1x1x16xf32>,
      %get3A_454 = vector.shape_cast %get3A_453 : vector<1x1x16xf32> to vector<16xf32>
      %mul3A_455 = vector.broadcast %squeeze3A_439 : f32 to vector<16xf32>
      %mul3A_456 = arith.mulf %mul3A_455, %get3A_454 : vector<16xf32>
      %add3A_457 = arith.addf %get3A_437, %mul3A_456 : vector<16xf32>
      %slice3A_458 = vector.extract_strided_slice %div3A {offsets = [1], sizes = [1], strides = [1]} : vector<16xf32> to vector<1xf32>
      %squeeze3A_459 = vector.extract %slice3A_458[0] : f32 from vector<1xf32>
      %get3A_460 = arith.constant 1 : i32
      %get3A_461 = arith.index_cast %scan3A_42 : i32 to index
      %get3A_462 = arith.index_cast %get3A_460 : i32 to index
      %get3A_463 = arith.constant 0 : index
      %get3A_464 = tpu.vector_load %arg17[%get3A_461, %get3A_462, %get3A_463] {strides = array<i32>} : memref<128x16x32xf32, #tpu.memory_space<vmem>>, vector<1x1x16xf32>,
      %get3A_465 = vector.shape_cast %get3A_464 : vector<1x1x16xf32> to vector<16xf32>
      %mul3A_466 = vector.broadcast %squeeze3A_459 : f32 to vector<16xf32>
      %mul3A_467 = arith.mulf %mul3A_466, %get3A_465 : vector<16xf32>
      %add3A_468 = arith.addf %add3A_448, %mul3A_467 : vector<16xf32>
      %get3A_469 = arith.constant 1 : i32
      %get3A_470 = arith.index_cast %scan3A_42 : i32 to index
      %get3A_471 = arith.index_cast %get3A_469 : i32 to index
      %get3A_472 = arith.constant 16 : index
      %get3A_473 = tpu.vector_load %arg17[%get3A_470, %get3A_471, %get3A_472] {strides = array<i32>} : memref<128x16x32xf32, #tpu.memory_space<vmem>>, vector<1x1x16xf32>,
      %get3A_474 = vector.shape_cast %get3A_473 : vector<1x1x16xf32> to vector<16xf32>
      %mul3A_475 = vector.broadcast %squeeze3A_459 : f32 to vector<16xf32>
      %mul3A_476 = arith.mulf %mul3A_475, %get3A_474 : vector<16xf32>
      %add3A_477 = arith.addf %add3A_457, %mul3A_476 : vector<16xf32>
      %slice3A_478 = vector.extract_strided_slice %div3A {offsets = [2], sizes = [1], strides = [1]} : vector<16xf32> to vector<1xf32>
      %squeeze3A_479 = vector.extract %slice3A_478[0] : f32 from vector<1xf32>
      %get3A_480 = arith.constant 2 : i32
      %get3A_481 = arith.index_cast %scan3A_42 : i32 to index
      %get3A_482 = arith.index_cast %get3A_480 : i32 to index
      %get3A_483 = arith.constant 0 : index
      %get3A_484 = tpu.vector_load %arg17[%get3A_481, %get3A_482, %get3A_483] {strides = array<i32>} : memref<128x16x32xf32, #tpu.memory_space<vmem>>, vector<1x1x16xf32>,
      %get3A_485 = vector.shape_cast %get3A_484 : vector<1x1x16xf32> to vector<16xf32>
      %mul3A_486 = vector.broadcast %squeeze3A_479 : f32 to vector<16xf32>
      %mul3A_487 = arith.mulf %mul3A_486, %get3A_485 : vector<16xf32>
      %add3A_488 = arith.addf %add3A_468, %mul3A_487 : vector<16xf32>
      %get3A_489 = arith.constant 2 : i32
      %get3A_490 = arith.index_cast %scan3A_42 : i32 to index
      %get3A_491 = arith.index_cast %get3A_489 : i32 to index
      %get3A_492 = arith.constant 16 : index
      %get3A_493 = tpu.vector_load %arg17[%get3A_490, %get3A_491, %get3A_492] {strides = array<i32>} : memref<128x16x32xf32, #tpu.memory_space<vmem>>, vector<1x1x16xf32>,
      %get3A_494 = vector.shape_cast %get3A_493 : vector<1x1x16xf32> to vector<16xf32>
      %mul3A_495 = vector.broadcast %squeeze3A_479 : f32 to vector<16xf32>
      %mul3A_496 = arith.mulf %mul3A_495, %get3A_494 : vector<16xf32>
      %add3A_497 = arith.addf %add3A_477, %mul3A_496 : vector<16xf32>
      %slice3A_498 = vector.extract_strided_slice %div3A {offsets = [3], sizes = [1], strides = [1]} : vector<16xf32> to vector<1xf32>
      %squeeze3A_499 = vector.extract %slice3A_498[0] : f32 from vector<1xf32>
      %get3A_500 = arith.constant 3 : i32
      %get3A_501 = arith.index_cast %scan3A_42 : i32 to index
      %get3A_502 = arith.index_cast %get3A_500 : i32 to index
      %get3A_503 = arith.constant 0 : index
      %get3A_504 = tpu.vector_load %arg17[%get3A_501, %get3A_502, %get3A_503] {strides = array<i32>} : memref<128x16x32xf32, #tpu.memory_space<vmem>>, vector<1x1x16xf32>,
      %get3A_505 = vector.shape_cast %get3A_504 : vector<1x1x16xf32> to vector<16xf32>
      %mul3A_506 = vector.broadcast %squeeze3A_499 : f32 to vector<16xf32>
      %mul3A_507 = arith.mulf %mul3A_506, %get3A_505 : vector<16xf32>
      %add3A_508 = arith.addf %add3A_488, %mul3A_507 : vector<16xf32>
      %get3A_509 = arith.constant 3 : i32
      %get3A_510 = arith.index_cast %scan3A_42 : i32 to index
      %get3A_511 = arith.index_cast %get3A_509 : i32 to index
      %get3A_512 = arith.constant 16 : index
      %get3A_513 = tpu.vector_load %arg17[%get3A_510, %get3A_511, %get3A_512] {strides = array<i32>} : memref<128x16x32xf32, #tpu.memory_space<vmem>>, vector<1x1x16xf32>,
      %get3A_514 = vector.shape_cast %get3A_513 : vector<1x1x16xf32> to vector<16xf32>
      %mul3A_515 = vector.broadcast %squeeze3A_499 : f32 to vector<16xf32>
      %mul3A_516 = arith.mulf %mul3A_515, %get3A_514 : vector<16xf32>
      %add3A_517 = arith.addf %add3A_497, %mul3A_516 : vector<16xf32>
      %slice3A_518 = vector.extract_strided_slice %div3A {offsets = [4], sizes = [1], strides = [1]} : vector<16xf32> to vector<1xf32>
      %squeeze3A_519 = vector.extract %slice3A_518[0] : f32 from vector<1xf32>
      %get3A_520 = arith.constant 4 : i32
      %get3A_521 = arith.index_cast %scan3A_42 : i32 to index
      %get3A_522 = arith.index_cast %get3A_520 : i32 to index
      %get3A_523 = arith.constant 0 : index
      %get3A_524 = tpu.vector_load %arg17[%get3A_521, %get3A_522, %get3A_523] {strides = array<i32>} : memref<128x16x32xf32, #tpu.memory_space<vmem>>, vector<1x1x16xf32>,
      %get3A_525 = vector.shape_cast %get3A_524 : vector<1x1x16xf32> to vector<16xf32>
      %mul3A_526 = vector.broadcast %squeeze3A_519 : f32 to vector<16xf32>
      %mul3A_527 = arith.mulf %mul3A_526, %get3A_525 : vector<16xf32>
      %add3A_528 = arith.addf %add3A_508, %mul3A_527 : vector<16xf32>
      %get3A_529 = arith.constant 4 : i32
      %get3A_530 = arith.index_cast %scan3A_42 : i32 to index
      %get3A_531 = arith.index_cast %get3A_529 : i32 to index
      %get3A_532 = arith.constant 16 : index
      %get3A_533 = tpu.vector_load %arg17[%get3A_530, %get3A_531, %get3A_532] {strides = array<i32>} : memref<128x16x32xf32, #tpu.memory_space<vmem>>, vector<1x1x16xf32>,
      %get3A_534 = vector.shape_cast %get3A_533 : vector<1x1x16xf32> to vector<16xf32>
      %mul3A_535 = vector.broadcast %squeeze3A_519 : f32 to vector<16xf32>
      %mul3A_536 = arith.mulf %mul3A_535, %get3A_534 : vector<16xf32>
      %add3A_537 = arith.addf %add3A_517, %mul3A_536 : vector<16xf32>
      %slice3A_538 = vector.extract_strided_slice %div3A {offsets = [5], sizes = [1], strides = [1]} : vector<16xf32> to vector<1xf32>
      %squeeze3A_539 = vector.extract %slice3A_538[0] : f32 from vector<1xf32>
      %get3A_540 = arith.constant 5 : i32
      %get3A_541 = arith.index_cast %scan3A_42 : i32 to index
      %get3A_542 = arith.index_cast %get3A_540 : i32 to index
      %get3A_543 = arith.constant 0 : index
      %get3A_544 = tpu.vector_load %arg17[%get3A_541, %get3A_542, %get3A_543] {strides = array<i32>} : memref<128x16x32xf32, #tpu.memory_space<vmem>>, vector<1x1x16xf32>,
      %get3A_545 = vector.shape_cast %get3A_544 : vector<1x1x16xf32> to vector<16xf32>
      %mul3A_546 = vector.broadcast %squeeze3A_539 : f32 to vector<16xf32>
      %mul3A_547 = arith.mulf %mul3A_546, %get3A_545 : vector<16xf32>
      %add3A_548 = arith.addf %add3A_528, %mul3A_547 : vector<16xf32>
      %get3A_549 = arith.constant 5 : i32
      %get3A_550 = arith.index_cast %scan3A_42 : i32 to index
      %get3A_551 = arith.index_cast %get3A_549 : i32 to index
      %get3A_552 = arith.constant 16 : index
      %get3A_553 = tpu.vector_load %arg17[%get3A_550, %get3A_551, %get3A_552] {strides = array<i32>} : memref<128x16x32xf32, #tpu.memory_space<vmem>>, vector<1x1x16xf32>,
      %get3A_554 = vector.shape_cast %get3A_553 : vector<1x1x16xf32> to vector<16xf32>
      %mul3A_555 = vector.broadcast %squeeze3A_539 : f32 to vector<16xf32>
      %mul3A_556 = arith.mulf %mul3A_555, %get3A_554 : vector<16xf32>
      %add3A_557 = arith.addf %add3A_537, %mul3A_556 : vector<16xf32>
      %slice3A_558 = vector.extract_strided_slice %div3A {offsets = [6], sizes = [1], strides = [1]} : vector<16xf32> to vector<1xf32>
      %squeeze3A_559 = vector.extract %slice3A_558[0] : f32 from vector<1xf32>
      %get3A_560 = arith.constant 6 : i32
      %get3A_561 = arith.index_cast %scan3A_42 : i32 to index
      %get3A_562 = arith.index_cast %get3A_560 : i32 to index
      %get3A_563 = arith.constant 0 : index
      %get3A_564 = tpu.vector_load %arg17[%get3A_561, %get3A_562, %get3A_563] {strides = array<i32>} : memref<128x16x32xf32, #tpu.memory_space<vmem>>, vector<1x1x16xf32>,
      %get3A_565 = vector.shape_cast %get3A_564 : vector<1x1x16xf32> to vector<16xf32>
      %mul3A_566 = vector.broadcast %squeeze3A_559 : f32 to vector<16xf32>
      %mul3A_567 = arith.mulf %mul3A_566, %get3A_565 : vector<16xf32>
      %add3A_568 = arith.addf %add3A_548, %mul3A_567 : vector<16xf32>
      %get3A_569 = arith.constant 6 : i32
      %get3A_570 = arith.index_cast %scan3A_42 : i32 to index
      %get3A_571 = arith.index_cast %get3A_569 : i32 to index
      %get3A_572 = arith.constant 16 : index
      %get3A_573 = tpu.vector_load %arg17[%get3A_570, %get3A_571, %get3A_572] {strides = array<i32>} : memref<128x16x32xf32, #tpu.memory_space<vmem>>, vector<1x1x16xf32>,
      %get3A_574 = vector.shape_cast %get3A_573 : vector<1x1x16xf32> to vector<16xf32>
      %mul3A_575 = vector.broadcast %squeeze3A_559 : f32 to vector<16xf32>
      %mul3A_576 = arith.mulf %mul3A_575, %get3A_574 : vector<16xf32>
      %add3A_577 = arith.addf %add3A_557, %mul3A_576 : vector<16xf32>
      %slice3A_578 = vector.extract_strided_slice %div3A {offsets = [7], sizes = [1], strides = [1]} : vector<16xf32> to vector<1xf32>
      %squeeze3A_579 = vector.extract %slice3A_578[0] : f32 from vector<1xf32>
      %get3A_580 = arith.constant 7 : i32
      %get3A_581 = arith.index_cast %scan3A_42 : i32 to index
      %get3A_582 = arith.index_cast %get3A_580 : i32 to index
      %get3A_583 = arith.constant 0 : index
      %get3A_584 = tpu.vector_load %arg17[%get3A_581, %get3A_582, %get3A_583] {strides = array<i32>} : memref<128x16x32xf32, #tpu.memory_space<vmem>>, vector<1x1x16xf32>,
      %get3A_585 = vector.shape_cast %get3A_584 : vector<1x1x16xf32> to vector<16xf32>
      %mul3A_586 = vector.broadcast %squeeze3A_579 : f32 to vector<16xf32>
      %mul3A_587 = arith.mulf %mul3A_586, %get3A_585 : vector<16xf32>
      %add3A_588 = arith.addf %add3A_568, %mul3A_587 : vector<16xf32>
      %get3A_589 = arith.constant 7 : i32
      %get3A_590 = arith.index_cast %scan3A_42 : i32 to index
      %get3A_591 = arith.index_cast %get3A_589 : i32 to index
      %get3A_592 = arith.constant 16 : index
      %get3A_593 = tpu.vector_load %arg17[%get3A_590, %get3A_591, %get3A_592] {strides = array<i32>} : memref<128x16x32xf32, #tpu.memory_space<vmem>>, vector<1x1x16xf32>,
      %get3A_594 = vector.shape_cast %get3A_593 : vector<1x1x16xf32> to vector<16xf32>
      %mul3A_595 = vector.broadcast %squeeze3A_579 : f32 to vector<16xf32>
      %mul3A_596 = arith.mulf %mul3A_595, %get3A_594 : vector<16xf32>
      %add3A_597 = arith.addf %add3A_577, %mul3A_596 : vector<16xf32>
      %slice3A_598 = vector.extract_strided_slice %div3A {offsets = [8], sizes = [1], strides = [1]} : vector<16xf32> to vector<1xf32>
      %squeeze3A_599 = vector.extract %slice3A_598[0] : f32 from vector<1xf32>
      %get3A_600 = arith.constant 8 : i32
      %get3A_601 = arith.index_cast %scan3A_42 : i32 to index
      %get3A_602 = arith.index_cast %get3A_600 : i32 to index
      %get3A_603 = arith.constant 0 : index
      %get3A_604 = tpu.vector_load %arg17[%get3A_601, %get3A_602, %get3A_603] {strides = array<i32>} : memref<128x16x32xf32, #tpu.memory_space<vmem>>, vector<1x1x16xf32>,
      %get3A_605 = vector.shape_cast %get3A_604 : vector<1x1x16xf32> to vector<16xf32>
      %mul3A_606 = vector.broadcast %squeeze3A_599 : f32 to vector<16xf32>
      %mul3A_607 = arith.mulf %mul3A_606, %get3A_605 : vector<16xf32>
      %add3A_608 = arith.addf %add3A_588, %mul3A_607 : vector<16xf32>
      %get3A_609 = arith.constant 8 : i32
      %get3A_610 = arith.index_cast %scan3A_42 : i32 to index
      %get3A_611 = arith.index_cast %get3A_609 : i32 to index
      %get3A_612 = arith.constant 16 : index
      %get3A_613 = tpu.vector_load %arg17[%get3A_610, %get3A_611, %get3A_612] {strides = array<i32>} : memref<128x16x32xf32, #tpu.memory_space<vmem>>, vector<1x1x16xf32>,
      %get3A_614 = vector.shape_cast %get3A_613 : vector<1x1x16xf32> to vector<16xf32>
      %mul3A_615 = vector.broadcast %squeeze3A_599 : f32 to vector<16xf32>
      %mul3A_616 = arith.mulf %mul3A_615, %get3A_614 : vector<16xf32>
      %add3A_617 = arith.addf %add3A_597, %mul3A_616 : vector<16xf32>
      %slice3A_618 = vector.extract_strided_slice %div3A {offsets = [9], sizes = [1], strides = [1]} : vector<16xf32> to vector<1xf32>
      %squeeze3A_619 = vector.extract %slice3A_618[0] : f32 from vector<1xf32>
      %get3A_620 = arith.constant 9 : i32
      %get3A_621 = arith.index_cast %scan3A_42 : i32 to index
      %get3A_622 = arith.index_cast %get3A_620 : i32 to index
      %get3A_623 = arith.constant 0 : index
      %get3A_624 = tpu.vector_load %arg17[%get3A_621, %get3A_622, %get3A_623] {strides = array<i32>} : memref<128x16x32xf32, #tpu.memory_space<vmem>>, vector<1x1x16xf32>,
      %get3A_625 = vector.shape_cast %get3A_624 : vector<1x1x16xf32> to vector<16xf32>
      %mul3A_626 = vector.broadcast %squeeze3A_619 : f32 to vector<16xf32>
      %mul3A_627 = arith.mulf %mul3A_626, %get3A_625 : vector<16xf32>
      %add3A_628 = arith.addf %add3A_608, %mul3A_627 : vector<16xf32>
      %get3A_629 = arith.constant 9 : i32
      %get3A_630 = arith.index_cast %scan3A_42 : i32 to index
      %get3A_631 = arith.index_cast %get3A_629 : i32 to index
      %get3A_632 = arith.constant 16 : index
      %get3A_633 = tpu.vector_load %arg17[%get3A_630, %get3A_631, %get3A_632] {strides = array<i32>} : memref<128x16x32xf32, #tpu.memory_space<vmem>>, vector<1x1x16xf32>,
      %get3A_634 = vector.shape_cast %get3A_633 : vector<1x1x16xf32> to vector<16xf32>
      %mul3A_635 = vector.broadcast %squeeze3A_619 : f32 to vector<16xf32>
      %mul3A_636 = arith.mulf %mul3A_635, %get3A_634 : vector<16xf32>
      %add3A_637 = arith.addf %add3A_617, %mul3A_636 : vector<16xf32>
      %slice3A_638 = vector.extract_strided_slice %div3A {offsets = [10], sizes = [1], strides = [1]} : vector<16xf32> to vector<1xf32>
      %squeeze3A_639 = vector.extract %slice3A_638[0] : f32 from vector<1xf32>
      %get3A_640 = arith.constant 10 : i32
      %get3A_641 = arith.index_cast %scan3A_42 : i32 to index
      %get3A_642 = arith.index_cast %get3A_640 : i32 to index
      %get3A_643 = arith.constant 0 : index
      %get3A_644 = tpu.vector_load %arg17[%get3A_641, %get3A_642, %get3A_643] {strides = array<i32>} : memref<128x16x32xf32, #tpu.memory_space<vmem>>, vector<1x1x16xf32>,
      %get3A_645 = vector.shape_cast %get3A_644 : vector<1x1x16xf32> to vector<16xf32>
      %mul3A_646 = vector.broadcast %squeeze3A_639 : f32 to vector<16xf32>
      %mul3A_647 = arith.mulf %mul3A_646, %get3A_645 : vector<16xf32>
      %add3A_648 = arith.addf %add3A_628, %mul3A_647 : vector<16xf32>
      %get3A_649 = arith.constant 10 : i32
      %get3A_650 = arith.index_cast %scan3A_42 : i32 to index
      %get3A_651 = arith.index_cast %get3A_649 : i32 to index
      %get3A_652 = arith.constant 16 : index
      %get3A_653 = tpu.vector_load %arg17[%get3A_650, %get3A_651, %get3A_652] {strides = array<i32>} : memref<128x16x32xf32, #tpu.memory_space<vmem>>, vector<1x1x16xf32>,
      %get3A_654 = vector.shape_cast %get3A_653 : vector<1x1x16xf32> to vector<16xf32>
      %mul3A_655 = vector.broadcast %squeeze3A_639 : f32 to vector<16xf32>
      %mul3A_656 = arith.mulf %mul3A_655, %get3A_654 : vector<16xf32>
      %add3A_657 = arith.addf %add3A_637, %mul3A_656 : vector<16xf32>
      %slice3A_658 = vector.extract_strided_slice %div3A {offsets = [11], sizes = [1], strides = [1]} : vector<16xf32> to vector<1xf32>
      %squeeze3A_659 = vector.extract %slice3A_658[0] : f32 from vector<1xf32>
      %get3A_660 = arith.constant 11 : i32
      %get3A_661 = arith.index_cast %scan3A_42 : i32 to index
      %get3A_662 = arith.index_cast %get3A_660 : i32 to index
      %get3A_663 = arith.constant 0 : index
      %get3A_664 = tpu.vector_load %arg17[%get3A_661, %get3A_662, %get3A_663] {strides = array<i32>} : memref<128x16x32xf32, #tpu.memory_space<vmem>>, vector<1x1x16xf32>,
      %get3A_665 = vector.shape_cast %get3A_664 : vector<1x1x16xf32> to vector<16xf32>
      %mul3A_666 = vector.broadcast %squeeze3A_659 : f32 to vector<16xf32>
      %mul3A_667 = arith.mulf %mul3A_666, %get3A_665 : vector<16xf32>
      %add3A_668 = arith.addf %add3A_648, %mul3A_667 : vector<16xf32>
      %get3A_669 = arith.constant 11 : i32
      %get3A_670 = arith.index_cast %scan3A_42 : i32 to index
      %get3A_671 = arith.index_cast %get3A_669 : i32 to index
      %get3A_672 = arith.constant 16 : index
      %get3A_673 = tpu.vector_load %arg17[%get3A_670, %get3A_671, %get3A_672] {strides = array<i32>} : memref<128x16x32xf32, #tpu.memory_space<vmem>>, vector<1x1x16xf32>,
      %get3A_674 = vector.shape_cast %get3A_673 : vector<1x1x16xf32> to vector<16xf32>
      %mul3A_675 = vector.broadcast %squeeze3A_659 : f32 to vector<16xf32>
      %mul3A_676 = arith.mulf %mul3A_675, %get3A_674 : vector<16xf32>
      %add3A_677 = arith.addf %add3A_657, %mul3A_676 : vector<16xf32>
      %slice3A_678 = vector.extract_strided_slice %div3A {offsets = [12], sizes = [1], strides = [1]} : vector<16xf32> to vector<1xf32>
      %squeeze3A_679 = vector.extract %slice3A_678[0] : f32 from vector<1xf32>
      %get3A_680 = arith.constant 12 : i32
      %get3A_681 = arith.index_cast %scan3A_42 : i32 to index
      %get3A_682 = arith.index_cast %get3A_680 : i32 to index
      %get3A_683 = arith.constant 0 : index
      %get3A_684 = tpu.vector_load %arg17[%get3A_681, %get3A_682, %get3A_683] {strides = array<i32>} : memref<128x16x32xf32, #tpu.memory_space<vmem>>, vector<1x1x16xf32>,
      %get3A_685 = vector.shape_cast %get3A_684 : vector<1x1x16xf32> to vector<16xf32>
      %mul3A_686 = vector.broadcast %squeeze3A_679 : f32 to vector<16xf32>
      %mul3A_687 = arith.mulf %mul3A_686, %get3A_685 : vector<16xf32>
      %add3A_688 = arith.addf %add3A_668, %mul3A_687 : vector<16xf32>
      %get3A_689 = arith.constant 12 : i32
      %get3A_690 = arith.index_cast %scan3A_42 : i32 to index
      %get3A_691 = arith.index_cast %get3A_689 : i32 to index
      %get3A_692 = arith.constant 16 : index
      %get3A_693 = tpu.vector_load %arg17[%get3A_690, %get3A_691, %get3A_692] {strides = array<i32>} : memref<128x16x32xf32, #tpu.memory_space<vmem>>, vector<1x1x16xf32>,
      %get3A_694 = vector.shape_cast %get3A_693 : vector<1x1x16xf32> to vector<16xf32>
      %mul3A_695 = vector.broadcast %squeeze3A_679 : f32 to vector<16xf32>
      %mul3A_696 = arith.mulf %mul3A_695, %get3A_694 : vector<16xf32>
      %add3A_697 = arith.addf %add3A_677, %mul3A_696 : vector<16xf32>
      %slice3A_698 = vector.extract_strided_slice %div3A {offsets = [13], sizes = [1], strides = [1]} : vector<16xf32> to vector<1xf32>
      %squeeze3A_699 = vector.extract %slice3A_698[0] : f32 from vector<1xf32>
      %get3A_700 = arith.constant 13 : i32
      %get3A_701 = arith.index_cast %scan3A_42 : i32 to index
      %get3A_702 = arith.index_cast %get3A_700 : i32 to index
      %get3A_703 = arith.constant 0 : index
      %get3A_704 = tpu.vector_load %arg17[%get3A_701, %get3A_702, %get3A_703] {strides = array<i32>} : memref<128x16x32xf32, #tpu.memory_space<vmem>>, vector<1x1x16xf32>,
      %get3A_705 = vector.shape_cast %get3A_704 : vector<1x1x16xf32> to vector<16xf32>
      %mul3A_706 = vector.broadcast %squeeze3A_699 : f32 to vector<16xf32>
      %mul3A_707 = arith.mulf %mul3A_706, %get3A_705 : vector<16xf32>
      %add3A_708 = arith.addf %add3A_688, %mul3A_707 : vector<16xf32>
      %get3A_709 = arith.constant 13 : i32
      %get3A_710 = arith.index_cast %scan3A_42 : i32 to index
      %get3A_711 = arith.index_cast %get3A_709 : i32 to index
      %get3A_712 = arith.constant 16 : index
      %get3A_713 = tpu.vector_load %arg17[%get3A_710, %get3A_711, %get3A_712] {strides = array<i32>} : memref<128x16x32xf32, #tpu.memory_space<vmem>>, vector<1x1x16xf32>,
      %get3A_714 = vector.shape_cast %get3A_713 : vector<1x1x16xf32> to vector<16xf32>
      %mul3A_715 = vector.broadcast %squeeze3A_699 : f32 to vector<16xf32>
      %mul3A_716 = arith.mulf %mul3A_715, %get3A_714 : vector<16xf32>
      %add3A_717 = arith.addf %add3A_697, %mul3A_716 : vector<16xf32>
      %slice3A_718 = vector.extract_strided_slice %div3A {offsets = [14], sizes = [1], strides = [1]} : vector<16xf32> to vector<1xf32>
      %squeeze3A_719 = vector.extract %slice3A_718[0] : f32 from vector<1xf32>
      %get3A_720 = arith.constant 14 : i32
      %get3A_721 = arith.index_cast %scan3A_42 : i32 to index
      %get3A_722 = arith.index_cast %get3A_720 : i32 to index
      %get3A_723 = arith.constant 0 : index
      %get3A_724 = tpu.vector_load %arg17[%get3A_721, %get3A_722, %get3A_723] {strides = array<i32>} : memref<128x16x32xf32, #tpu.memory_space<vmem>>, vector<1x1x16xf32>,
      %get3A_725 = vector.shape_cast %get3A_724 : vector<1x1x16xf32> to vector<16xf32>
      %mul3A_726 = vector.broadcast %squeeze3A_719 : f32 to vector<16xf32>
      %mul3A_727 = arith.mulf %mul3A_726, %get3A_725 : vector<16xf32>
      %add3A_728 = arith.addf %add3A_708, %mul3A_727 : vector<16xf32>
      %get3A_729 = arith.constant 14 : i32
      %get3A_730 = arith.index_cast %scan3A_42 : i32 to index
      %get3A_731 = arith.index_cast %get3A_729 : i32 to index
      %get3A_732 = arith.constant 16 : index
      %get3A_733 = tpu.vector_load %arg17[%get3A_730, %get3A_731, %get3A_732] {strides = array<i32>} : memref<128x16x32xf32, #tpu.memory_space<vmem>>, vector<1x1x16xf32>,
      %get3A_734 = vector.shape_cast %get3A_733 : vector<1x1x16xf32> to vector<16xf32>
      %mul3A_735 = vector.broadcast %squeeze3A_719 : f32 to vector<16xf32>
      %mul3A_736 = arith.mulf %mul3A_735, %get3A_734 : vector<16xf32>
      %add3A_737 = arith.addf %add3A_717, %mul3A_736 : vector<16xf32>
      %slice3A_738 = vector.extract_strided_slice %div3A {offsets = [15], sizes = [1], strides = [1]} : vector<16xf32> to vector<1xf32>
      %squeeze3A_739 = vector.extract %slice3A_738[0] : f32 from vector<1xf32>
      %get3A_740 = arith.constant 15 : i32
      %get3A_741 = arith.index_cast %scan3A_42 : i32 to index
      %get3A_742 = arith.index_cast %get3A_740 : i32 to index
      %get3A_743 = arith.constant 0 : index
      %get3A_744 = tpu.vector_load %arg17[%get3A_741, %get3A_742, %get3A_743] {strides = array<i32>} : memref<128x16x32xf32, #tpu.memory_space<vmem>>, vector<1x1x16xf32>,
      %get3A_745 = vector.shape_cast %get3A_744 : vector<1x1x16xf32> to vector<16xf32>
      %mul3A_746 = vector.broadcast %squeeze3A_739 : f32 to vector<16xf32>
      %mul3A_747 = arith.mulf %mul3A_746, %get3A_745 : vector<16xf32>
      %add3A_748 = arith.addf %add3A_728, %mul3A_747 : vector<16xf32>
      %get3A_749 = arith.constant 15 : i32
      %get3A_750 = arith.index_cast %scan3A_42 : i32 to index
      %get3A_751 = arith.index_cast %get3A_749 : i32 to index
      %get3A_752 = arith.constant 16 : index
      %get3A_753 = tpu.vector_load %arg17[%get3A_750, %get3A_751, %get3A_752] {strides = array<i32>} : memref<128x16x32xf32, #tpu.memory_space<vmem>>, vector<1x1x16xf32>,
      %get3A_754 = vector.shape_cast %get3A_753 : vector<1x1x16xf32> to vector<16xf32>
      %mul3A_755 = vector.broadcast %squeeze3A_739 : f32 to vector<16xf32>
      %mul3A_756 = arith.mulf %mul3A_755, %get3A_754 : vector<16xf32>
      %add3A_757 = arith.addf %add3A_737, %mul3A_756 : vector<16xf32>
      %swap3A = arith.index_cast %scan3A_42 : i32 to index
      %swap3A_758 = arith.constant 0 : index
      %swap3A_759 = tpu.vector_load %arg19[%swap3A, %swap3A_758] {strides = array<i32>} : memref<128x32xf32, #tpu.memory_space<vmem>>, vector<1x16xf32>,
      %swap3A_760 = vector.shape_cast %swap3A_759 : vector<1x16xf32> to vector<16xf32>
      %swap3A_761 = vector.shape_cast %add3A_748 : vector<16xf32> to vector<1x16xf32>
      tpu.vector_store %arg19[%swap3A, %swap3A_758], %swap3A_761 {strides = array<i32>} : memref<128x32xf32, #tpu.memory_space<vmem>>, vector<1x16xf32>,
      %swap3A_762 = arith.index_cast %scan3A_42 : i32 to index
      %swap3A_763 = arith.constant 16 : index
      %swap3A_764 = tpu.vector_load %arg19[%swap3A_762, %swap3A_763] {strides = array<i32>} : memref<128x32xf32, #tpu.memory_space<vmem>>, vector<1x16xf32>,
      %swap3A_765 = vector.shape_cast %swap3A_764 : vector<1x16xf32> to vector<16xf32>
      %swap3A_766 = vector.shape_cast %add3A_757 : vector<16xf32> to vector<1x16xf32>
      tpu.vector_store %arg19[%swap3A_762, %swap3A_763], %swap3A_766 {strides = array<i32>} : memref<128x32xf32, #tpu.memory_space<vmem>>, vector<1x16xf32>,
    }
    %scan3A_41 = arith.constant 128 : i32
    "tpu.region"() ({
      %run_scoped3A = tpu.sem_alloc : memref<!tpu.dma_semaphore, #tpu.memory_space<semaphore_mem>>
      %dma_start3A_42 = arith.constant 0 : i32
      %dma_start3A_43 = tpu.memref_slice %arg9[%mul3A_2, %dma_start3A_42] : memref<4096x32xf32, #tpu.memory_space<hbm>> -> memref<128x32xf32, #tpu.memory_space<hbm>>
      %dma_start3A_44 = arith.constant 0 : i32
      %dma_start3A_45 = tpu.memref_slice %arg9[%mul3A_2, %dma_start3A_44] : memref<4096x32xf32, #tpu.memory_space<hbm>> -> memref<128x32xf32, #tpu.memory_space<hbm>>
      tpu.enqueue_dma source(%arg15 : memref<128x32xf32, #tpu.memory_space<vmem>>) target(%dma_start3A_45 : memref<128x32xf32, #tpu.memory_space<hbm>>) target_semaphore(%run_scoped3A : memref<!tpu.dma_semaphore, #tpu.memory_space<semaphore_mem>>)
      %dma_wait3A_46 = arith.constant 0 : i32
      %dma_wait3A_47 = tpu.memref_slice %arg9[%mul3A_2, %dma_wait3A_46] : memref<4096x32xf32, #tpu.memory_space<hbm>> -> memref<128x32xf32, #tpu.memory_space<hbm>>
      %dma_wait3A_48 = arith.constant 0 : i32
      %dma_wait3A_49 = tpu.memref_slice %arg9[%mul3A_2, %dma_wait3A_48] : memref<4096x32xf32, #tpu.memory_space<hbm>> -> memref<128x32xf32, #tpu.memory_space<hbm>>
      tpu.wait_dma2 semaphore(%run_scoped3A : memref<!tpu.dma_semaphore, #tpu.memory_space<semaphore_mem>>) src(%arg15 : memref<128x32xf32, #tpu.memory_space<vmem>>) dst(%dma_wait3A_49 : memref<128x32xf32, #tpu.memory_space<hbm>>)
      tpu.yield
    }) : () -> ()
    "tpu.region"() ({
      %run_scoped3A = tpu.sem_alloc : memref<!tpu.dma_semaphore, #tpu.memory_space<semaphore_mem>>
      %dma_start3A_42 = arith.constant 0 : i32
      %dma_start3A_43 = tpu.memref_slice %arg10[%mul3A_2, %dma_start3A_42] : memref<4096x32xf32, #tpu.memory_space<hbm>> -> memref<128x32xf32, #tpu.memory_space<hbm>>
      %dma_start3A_44 = arith.constant 0 : i32
      %dma_start3A_45 = tpu.memref_slice %arg10[%mul3A_2, %dma_start3A_44] : memref<4096x32xf32, #tpu.memory_space<hbm>> -> memref<128x32xf32, #tpu.memory_space<hbm>>
      tpu.enqueue_dma source(%arg19 : memref<128x32xf32, #tpu.memory_space<vmem>>) target(%dma_start3A_45 : memref<128x32xf32, #tpu.memory_space<hbm>>) target_semaphore(%run_scoped3A : memref<!tpu.dma_semaphore, #tpu.memory_space<semaphore_mem>>)
      %dma_wait3A_46 = arith.constant 0 : i32
      %dma_wait3A_47 = tpu.memref_slice %arg10[%mul3A_2, %dma_wait3A_46] : memref<4096x32xf32, #tpu.memory_space<hbm>> -> memref<128x32xf32, #tpu.memory_space<hbm>>
      %dma_wait3A_48 = arith.constant 0 : i32
      %dma_wait3A_49 = tpu.memref_slice %arg10[%mul3A_2, %dma_wait3A_48] : memref<4096x32xf32, #tpu.memory_space<hbm>> -> memref<128x32xf32, #tpu.memory_space<hbm>>
      tpu.wait_dma2 semaphore(%run_scoped3A : memref<!tpu.dma_semaphore, #tpu.memory_space<semaphore_mem>>) src(%arg19 : memref<128x32xf32, #tpu.memory_space<vmem>>) dst(%dma_wait3A_49 : memref<128x32xf32, #tpu.memory_space<hbm>>)
      tpu.yield
    }) : () -> ()
    return
  }
}

module attributes {stable_mosaic.version = 14 : i64} {
  func.func @_repack_body(%arg0: i32, %arg1: memref<16x8192xi32, #tpu.memory_space<vmem>>, %arg2: memref<16x8192xi32, #tpu.memory_space<vmem>>, %arg3: memref<1024x128xi32, #tpu.memory_space<vmem>>, %arg4: memref<1024x128xi32, #tpu.memory_space<vmem>>) attributes {dimension_semantics = [#tpu.dimension_semantics<arbitrary>], iteration_bounds = array<i64: 13>, scalar_prefetch = 0 : i64, scratch_operands = 0 : i64, tpu.core_type = #tpu.core_type<tc>, window_params = [{transform_indices = @transform_0, window_bounds = array<i64: 16, 8192>}, {transform_indices = @transform_1, window_bounds = array<i64: 16, 8192>}, {transform_indices = @transform_2, window_bounds = array<i64: 1024, 128>}, {transform_indices = @transform_3, window_bounds = array<i64: 1024, 128>}]} {
    %get3A = arith.constant 0 : index
    %get3A_0 = arith.constant 0 : index
    %get3A_1 = vector.load %arg1[%get3A, %get3A_0] : memref<16x8192xi32, #tpu.memory_space<vmem>>, vector<16x8192xi32>
    %transpose3A = tpu.transpose %get3A_1, [1, 0] : vector<16x8192xi32> -> vector<8192x16xi32>
    %reshape3A = vector.shape_cast %transpose3A : vector<8192x16xi32> to vector<1024x8x16xi32>
    %slice3A = vector.extract_strided_slice %reshape3A {offsets = [0, 0, 0], sizes = [1024, 1, 16], strides = [1, 1, 1]} : vector<1024x8x16xi32> to vector<1024x1x16xi32>
    %squeeze3A = vector.shape_cast %slice3A : vector<1024x1x16xi32> to vector<1024x16xi32>
    %swap3A = arith.constant 0 : index
    %swap3A_2 = arith.constant 0 : index
    %swap3A_3 = vector.load %arg3[%swap3A, %swap3A_2] : memref<1024x128xi32, #tpu.memory_space<vmem>>, vector<1024x16xi32>
    tpu.vector_store %arg3[%swap3A, %swap3A_2], %squeeze3A {strides = array<i32>} : memref<1024x128xi32, #tpu.memory_space<vmem>>, vector<1024x16xi32>,
    %slice3A_4 = vector.extract_strided_slice %reshape3A {offsets = [0, 1, 0], sizes = [1024, 1, 16], strides = [1, 1, 1]} : vector<1024x8x16xi32> to vector<1024x1x16xi32>
    %squeeze3A_5 = vector.shape_cast %slice3A_4 : vector<1024x1x16xi32> to vector<1024x16xi32>
    %swap3A_6 = arith.constant 0 : index
    %swap3A_7 = arith.constant 16 : index
    %swap3A_8 = vector.load %arg3[%swap3A_6, %swap3A_7] : memref<1024x128xi32, #tpu.memory_space<vmem>>, vector<1024x16xi32>
    tpu.vector_store %arg3[%swap3A_6, %swap3A_7], %squeeze3A_5 {strides = array<i32>} : memref<1024x128xi32, #tpu.memory_space<vmem>>, vector<1024x16xi32>,
    %slice3A_9 = vector.extract_strided_slice %reshape3A {offsets = [0, 2, 0], sizes = [1024, 1, 16], strides = [1, 1, 1]} : vector<1024x8x16xi32> to vector<1024x1x16xi32>
    %squeeze3A_10 = vector.shape_cast %slice3A_9 : vector<1024x1x16xi32> to vector<1024x16xi32>
    %swap3A_11 = arith.constant 0 : index
    %swap3A_12 = arith.constant 32 : index
    %swap3A_13 = vector.load %arg3[%swap3A_11, %swap3A_12] : memref<1024x128xi32, #tpu.memory_space<vmem>>, vector<1024x16xi32>
    tpu.vector_store %arg3[%swap3A_11, %swap3A_12], %squeeze3A_10 {strides = array<i32>} : memref<1024x128xi32, #tpu.memory_space<vmem>>, vector<1024x16xi32>,
    %slice3A_14 = vector.extract_strided_slice %reshape3A {offsets = [0, 3, 0], sizes = [1024, 1, 16], strides = [1, 1, 1]} : vector<1024x8x16xi32> to vector<1024x1x16xi32>
    %squeeze3A_15 = vector.shape_cast %slice3A_14 : vector<1024x1x16xi32> to vector<1024x16xi32>
    %swap3A_16 = arith.constant 0 : index
    %swap3A_17 = arith.constant 48 : index
    %swap3A_18 = vector.load %arg3[%swap3A_16, %swap3A_17] : memref<1024x128xi32, #tpu.memory_space<vmem>>, vector<1024x16xi32>
    tpu.vector_store %arg3[%swap3A_16, %swap3A_17], %squeeze3A_15 {strides = array<i32>} : memref<1024x128xi32, #tpu.memory_space<vmem>>, vector<1024x16xi32>,
    %slice3A_19 = vector.extract_strided_slice %reshape3A {offsets = [0, 4, 0], sizes = [1024, 1, 16], strides = [1, 1, 1]} : vector<1024x8x16xi32> to vector<1024x1x16xi32>
    %squeeze3A_20 = vector.shape_cast %slice3A_19 : vector<1024x1x16xi32> to vector<1024x16xi32>
    %swap3A_21 = arith.constant 0 : index
    %swap3A_22 = arith.constant 64 : index
    %swap3A_23 = vector.load %arg3[%swap3A_21, %swap3A_22] : memref<1024x128xi32, #tpu.memory_space<vmem>>, vector<1024x16xi32>
    tpu.vector_store %arg3[%swap3A_21, %swap3A_22], %squeeze3A_20 {strides = array<i32>} : memref<1024x128xi32, #tpu.memory_space<vmem>>, vector<1024x16xi32>,
    %slice3A_24 = vector.extract_strided_slice %reshape3A {offsets = [0, 5, 0], sizes = [1024, 1, 16], strides = [1, 1, 1]} : vector<1024x8x16xi32> to vector<1024x1x16xi32>
    %squeeze3A_25 = vector.shape_cast %slice3A_24 : vector<1024x1x16xi32> to vector<1024x16xi32>
    %swap3A_26 = arith.constant 0 : index
    %swap3A_27 = arith.constant 80 : index
    %swap3A_28 = vector.load %arg3[%swap3A_26, %swap3A_27] : memref<1024x128xi32, #tpu.memory_space<vmem>>, vector<1024x16xi32>
    tpu.vector_store %arg3[%swap3A_26, %swap3A_27], %squeeze3A_25 {strides = array<i32>} : memref<1024x128xi32, #tpu.memory_space<vmem>>, vector<1024x16xi32>,
    %slice3A_29 = vector.extract_strided_slice %reshape3A {offsets = [0, 6, 0], sizes = [1024, 1, 16], strides = [1, 1, 1]} : vector<1024x8x16xi32> to vector<1024x1x16xi32>
    %squeeze3A_30 = vector.shape_cast %slice3A_29 : vector<1024x1x16xi32> to vector<1024x16xi32>
    %swap3A_31 = arith.constant 0 : index
    %swap3A_32 = arith.constant 96 : index
    %swap3A_33 = vector.load %arg3[%swap3A_31, %swap3A_32] : memref<1024x128xi32, #tpu.memory_space<vmem>>, vector<1024x16xi32>
    tpu.vector_store %arg3[%swap3A_31, %swap3A_32], %squeeze3A_30 {strides = array<i32>} : memref<1024x128xi32, #tpu.memory_space<vmem>>, vector<1024x16xi32>,
    %slice3A_34 = vector.extract_strided_slice %reshape3A {offsets = [0, 7, 0], sizes = [1024, 1, 16], strides = [1, 1, 1]} : vector<1024x8x16xi32> to vector<1024x1x16xi32>
    %squeeze3A_35 = vector.shape_cast %slice3A_34 : vector<1024x1x16xi32> to vector<1024x16xi32>
    %swap3A_36 = arith.constant 0 : index
    %swap3A_37 = arith.constant 112 : index
    %swap3A_38 = vector.load %arg3[%swap3A_36, %swap3A_37] : memref<1024x128xi32, #tpu.memory_space<vmem>>, vector<1024x16xi32>
    tpu.vector_store %arg3[%swap3A_36, %swap3A_37], %squeeze3A_35 {strides = array<i32>} : memref<1024x128xi32, #tpu.memory_space<vmem>>, vector<1024x16xi32>,
    %get3A_39 = arith.constant 0 : index
    %get3A_40 = arith.constant 0 : index
    %get3A_41 = vector.load %arg2[%get3A_39, %get3A_40] : memref<16x8192xi32, #tpu.memory_space<vmem>>, vector<16x8192xi32>
    %transpose3A_42 = tpu.transpose %get3A_41, [1, 0] : vector<16x8192xi32> -> vector<8192x16xi32>
    %reshape3A_43 = vector.shape_cast %transpose3A_42 : vector<8192x16xi32> to vector<1024x8x16xi32>
    %slice3A_44 = vector.extract_strided_slice %reshape3A_43 {offsets = [0, 0, 0], sizes = [1024, 1, 16], strides = [1, 1, 1]} : vector<1024x8x16xi32> to vector<1024x1x16xi32>
    %squeeze3A_45 = vector.shape_cast %slice3A_44 : vector<1024x1x16xi32> to vector<1024x16xi32>
    %swap3A_46 = arith.constant 0 : index
    %swap3A_47 = arith.constant 0 : index
    %swap3A_48 = vector.load %arg4[%swap3A_46, %swap3A_47] : memref<1024x128xi32, #tpu.memory_space<vmem>>, vector<1024x16xi32>
    tpu.vector_store %arg4[%swap3A_46, %swap3A_47], %squeeze3A_45 {strides = array<i32>} : memref<1024x128xi32, #tpu.memory_space<vmem>>, vector<1024x16xi32>,
    %slice3A_49 = vector.extract_strided_slice %reshape3A_43 {offsets = [0, 1, 0], sizes = [1024, 1, 16], strides = [1, 1, 1]} : vector<1024x8x16xi32> to vector<1024x1x16xi32>
    %squeeze3A_50 = vector.shape_cast %slice3A_49 : vector<1024x1x16xi32> to vector<1024x16xi32>
    %swap3A_51 = arith.constant 0 : index
    %swap3A_52 = arith.constant 16 : index
    %swap3A_53 = vector.load %arg4[%swap3A_51, %swap3A_52] : memref<1024x128xi32, #tpu.memory_space<vmem>>, vector<1024x16xi32>
    tpu.vector_store %arg4[%swap3A_51, %swap3A_52], %squeeze3A_50 {strides = array<i32>} : memref<1024x128xi32, #tpu.memory_space<vmem>>, vector<1024x16xi32>,
    %slice3A_54 = vector.extract_strided_slice %reshape3A_43 {offsets = [0, 2, 0], sizes = [1024, 1, 16], strides = [1, 1, 1]} : vector<1024x8x16xi32> to vector<1024x1x16xi32>
    %squeeze3A_55 = vector.shape_cast %slice3A_54 : vector<1024x1x16xi32> to vector<1024x16xi32>
    %swap3A_56 = arith.constant 0 : index
    %swap3A_57 = arith.constant 32 : index
    %swap3A_58 = vector.load %arg4[%swap3A_56, %swap3A_57] : memref<1024x128xi32, #tpu.memory_space<vmem>>, vector<1024x16xi32>
    tpu.vector_store %arg4[%swap3A_56, %swap3A_57], %squeeze3A_55 {strides = array<i32>} : memref<1024x128xi32, #tpu.memory_space<vmem>>, vector<1024x16xi32>,
    %slice3A_59 = vector.extract_strided_slice %reshape3A_43 {offsets = [0, 3, 0], sizes = [1024, 1, 16], strides = [1, 1, 1]} : vector<1024x8x16xi32> to vector<1024x1x16xi32>
    %squeeze3A_60 = vector.shape_cast %slice3A_59 : vector<1024x1x16xi32> to vector<1024x16xi32>
    %swap3A_61 = arith.constant 0 : index
    %swap3A_62 = arith.constant 48 : index
    %swap3A_63 = vector.load %arg4[%swap3A_61, %swap3A_62] : memref<1024x128xi32, #tpu.memory_space<vmem>>, vector<1024x16xi32>
    tpu.vector_store %arg4[%swap3A_61, %swap3A_62], %squeeze3A_60 {strides = array<i32>} : memref<1024x128xi32, #tpu.memory_space<vmem>>, vector<1024x16xi32>,
    %slice3A_64 = vector.extract_strided_slice %reshape3A_43 {offsets = [0, 4, 0], sizes = [1024, 1, 16], strides = [1, 1, 1]} : vector<1024x8x16xi32> to vector<1024x1x16xi32>
    %squeeze3A_65 = vector.shape_cast %slice3A_64 : vector<1024x1x16xi32> to vector<1024x16xi32>
    %swap3A_66 = arith.constant 0 : index
    %swap3A_67 = arith.constant 64 : index
    %swap3A_68 = vector.load %arg4[%swap3A_66, %swap3A_67] : memref<1024x128xi32, #tpu.memory_space<vmem>>, vector<1024x16xi32>
    tpu.vector_store %arg4[%swap3A_66, %swap3A_67], %squeeze3A_65 {strides = array<i32>} : memref<1024x128xi32, #tpu.memory_space<vmem>>, vector<1024x16xi32>,
    %slice3A_69 = vector.extract_strided_slice %reshape3A_43 {offsets = [0, 5, 0], sizes = [1024, 1, 16], strides = [1, 1, 1]} : vector<1024x8x16xi32> to vector<1024x1x16xi32>
    %squeeze3A_70 = vector.shape_cast %slice3A_69 : vector<1024x1x16xi32> to vector<1024x16xi32>
    %swap3A_71 = arith.constant 0 : index
    %swap3A_72 = arith.constant 80 : index
    %swap3A_73 = vector.load %arg4[%swap3A_71, %swap3A_72] : memref<1024x128xi32, #tpu.memory_space<vmem>>, vector<1024x16xi32>
    tpu.vector_store %arg4[%swap3A_71, %swap3A_72], %squeeze3A_70 {strides = array<i32>} : memref<1024x128xi32, #tpu.memory_space<vmem>>, vector<1024x16xi32>,
    %slice3A_74 = vector.extract_strided_slice %reshape3A_43 {offsets = [0, 6, 0], sizes = [1024, 1, 16], strides = [1, 1, 1]} : vector<1024x8x16xi32> to vector<1024x1x16xi32>
    %squeeze3A_75 = vector.shape_cast %slice3A_74 : vector<1024x1x16xi32> to vector<1024x16xi32>
    %swap3A_76 = arith.constant 0 : index
    %swap3A_77 = arith.constant 96 : index
    %swap3A_78 = vector.load %arg4[%swap3A_76, %swap3A_77] : memref<1024x128xi32, #tpu.memory_space<vmem>>, vector<1024x16xi32>
    tpu.vector_store %arg4[%swap3A_76, %swap3A_77], %squeeze3A_75 {strides = array<i32>} : memref<1024x128xi32, #tpu.memory_space<vmem>>, vector<1024x16xi32>,
    %slice3A_79 = vector.extract_strided_slice %reshape3A_43 {offsets = [0, 7, 0], sizes = [1024, 1, 16], strides = [1, 1, 1]} : vector<1024x8x16xi32> to vector<1024x1x16xi32>
    %squeeze3A_80 = vector.shape_cast %slice3A_79 : vector<1024x1x16xi32> to vector<1024x16xi32>
    %swap3A_81 = arith.constant 0 : index
    %swap3A_82 = arith.constant 112 : index
    %swap3A_83 = vector.load %arg4[%swap3A_81, %swap3A_82] : memref<1024x128xi32, #tpu.memory_space<vmem>>, vector<1024x16xi32>
    tpu.vector_store %arg4[%swap3A_81, %swap3A_82], %squeeze3A_80 {strides = array<i32>} : memref<1024x128xi32, #tpu.memory_space<vmem>>, vector<1024x16xi32>,
    return
  }
  func.func @transform_0(%arg0: i32) -> (i32, i32) {
    %c0_i32 = arith.constant 0 : i32
    %c0_i32_0 = arith.constant 0 : i32
    return %c0_i32, %arg0 : i32, i32
  }
  func.func @transform_1(%arg0: i32) -> (i32, i32) {
    %c0_i32 = arith.constant 0 : i32
    %c0_i32_0 = arith.constant 0 : i32
    return %c0_i32, %arg0 : i32, i32
  }
  func.func @transform_2(%arg0: i32) -> (i32, i32) {
    %c0_i32 = arith.constant 0 : i32
    %c0_i32_0 = arith.constant 0 : i32
    return %arg0, %c0_i32 : i32, i32
  }
  func.func @transform_3(%arg0: i32) -> (i32, i32) {
    %c0_i32 = arith.constant 0 : i32
    %c0_i32_0 = arith.constant 0 : i32
    return %arg0, %c0_i32 : i32, i32
  }
}

module attributes {stable_mosaic.version = 14 : i64} {
  func.func @_tc_body(%arg0: memref<4096x32xf32, #tpu.memory_space<vmem>>, %arg1: memref<4096x32xf32, #tpu.memory_space<vmem>>, %arg2: memref<32x32xf32, #tpu.memory_space<vmem>>, %arg3: memref<32xf32, #tpu.memory_space<vmem>>, %arg4: memref<4096xf32, #tpu.memory_space<vmem>>) attributes {dimension_semantics = [], scalar_prefetch = 0 : i64, scratch_operands = 0 : i64, tpu.core_type = #tpu.core_type<tc>} {
    %get3A = arith.constant 0 : index
    %get3A_0 = arith.constant 0 : index
    %get3A_1 = vector.load %arg1[%get3A, %get3A_0] : memref<4096x32xf32, #tpu.memory_space<vmem>>, vector<4096x32xf32>
    %get3A_2 = arith.constant 0 : index
    %get3A_3 = arith.constant 0 : index
    %get3A_4 = vector.load %arg2[%get3A_2, %get3A_3] : memref<32x32xf32, #tpu.memory_space<vmem>>, vector<32x32xf32>
    %dot_general3A = arith.constant dense<0.000000e+00> : vector<4096x32xf32>
    %dot_general3A_5 = tpu.matmul %get3A_1, %get3A_4, %dot_general3A {dimension_numbers = #tpu.dot_dimension_numbers<[1], [0], [0], [1], [0, 0, 1, 1], [], []>, transpose_lhs_hint = false} : vector<4096x32xf32>, vector<32x32xf32>, vector<4096x32xf32> -> vector<4096x32xf32>
    %get3A_6 = arith.constant 0 : index
    %get3A_7 = vector.load %arg3[%get3A_6] : memref<32xf32, #tpu.memory_space<vmem>>, vector<32xf32>
    %broadcast_in_dim3A = vector.shape_cast %get3A_7 : vector<32xf32> to vector<1x32xf32>
    %add3A = vector.broadcast %broadcast_in_dim3A : vector<1x32xf32> to vector<4096x32xf32>
    %add3A_8 = arith.addf %dot_general3A_5, %add3A : vector<4096x32xf32>
    %ge3A = arith.constant 0.000000e+00 : f32
    %ge3A_9 = vector.broadcast %ge3A : f32 to vector<4096x32xf32>
    %ge3A_10 = arith.cmpf oge, %add3A_8, %ge3A_9 : vector<4096x32xf32>
    %mul3A = arith.constant 0.00999999977 : f32
    %mul3A_11 = vector.broadcast %mul3A : f32 to vector<4096x32xf32>
    %mul3A_12 = arith.mulf %mul3A_11, %add3A_8 : vector<4096x32xf32>
    %select_n3A = arith.select %ge3A_10, %add3A_8, %mul3A_12 : vector<4096x32xi1>, vector<4096x32xf32>
    %get3A_13 = arith.constant 0 : index
    %get3A_14 = arith.constant 0 : index
    %get3A_15 = vector.load %arg0[%get3A_13, %get3A_14] : memref<4096x32xf32, #tpu.memory_space<vmem>>, vector<4096x32xf32>
    %mul3A_16 = arith.mulf %get3A_15, %select_n3A : vector<4096x32xf32>
    %reduce_sum3A = arith.constant dense<0.000000e+00> : vector<4096xf32>
    %reduce_sum3A_17 = vector.multi_reduction <add>, %mul3A_16, %reduce_sum3A [1] : vector<4096x32xf32> to vector<4096xf32>
    %logistic3A = arith.negf %reduce_sum3A_17 : vector<4096xf32>
    %logistic3A_18 = math.exp %logistic3A : vector<4096xf32>
    %logistic3A_19 = arith.constant 1.000000e+00 : f32
    %logistic3A_20 = vector.broadcast %logistic3A_19 : f32 to vector<4096xf32>
    %logistic3A_21 = arith.addf %logistic3A_20, %logistic3A_18 : vector<4096xf32>
    %logistic3A_22 = arith.divf %logistic3A_20, %logistic3A_21 : vector<4096xf32>
    %swap3A = arith.constant 0 : index
    %swap3A_23 = vector.load %arg4[%swap3A] : memref<4096xf32, #tpu.memory_space<vmem>>, vector<4096xf32>
    tpu.vector_store %arg4[%swap3A], %logistic3A_22 {strides = array<i32>} : memref<4096xf32, #tpu.memory_space<vmem>>, vector<4096xf32>,
    return
  }
}

module attributes {stable_mosaic.version = 14 : i64} {
  func.func @_repack_body(%arg0: i32, %arg1: memref<32x8192xf32, #tpu.memory_space<vmem>>, %arg2: memref<32x8192xf32, #tpu.memory_space<vmem>>, %arg3: memref<2048x128xf32, #tpu.memory_space<vmem>>, %arg4: memref<2048x128xf32, #tpu.memory_space<vmem>>) attributes {dimension_semantics = [#tpu.dimension_semantics<arbitrary>], iteration_bounds = array<i64: 13>, scalar_prefetch = 0 : i64, scratch_operands = 0 : i64, tpu.core_type = #tpu.core_type<tc>, window_params = [{transform_indices = @transform_0, window_bounds = array<i64: 32, 8192>}, {transform_indices = @transform_1, window_bounds = array<i64: 32, 8192>}, {transform_indices = @transform_2, window_bounds = array<i64: 2048, 128>}, {transform_indices = @transform_3, window_bounds = array<i64: 2048, 128>}]} {
    %get3A = arith.constant 0 : index
    %get3A_0 = arith.constant 0 : index
    %get3A_1 = vector.load %arg1[%get3A, %get3A_0] : memref<32x8192xf32, #tpu.memory_space<vmem>>, vector<32x8192xf32>
    %transpose3A = tpu.transpose %get3A_1, [1, 0] : vector<32x8192xf32> -> vector<8192x32xf32>
    %reshape3A = vector.shape_cast %transpose3A : vector<8192x32xf32> to vector<2048x4x32xf32>
    %slice3A = vector.extract_strided_slice %reshape3A {offsets = [0, 0, 0], sizes = [2048, 1, 32], strides = [1, 1, 1]} : vector<2048x4x32xf32> to vector<2048x1x32xf32>
    %squeeze3A = vector.shape_cast %slice3A : vector<2048x1x32xf32> to vector<2048x32xf32>
    %swap3A = arith.constant 0 : index
    %swap3A_2 = arith.constant 0 : index
    %swap3A_3 = vector.load %arg3[%swap3A, %swap3A_2] : memref<2048x128xf32, #tpu.memory_space<vmem>>, vector<2048x32xf32>
    tpu.vector_store %arg3[%swap3A, %swap3A_2], %squeeze3A {strides = array<i32>} : memref<2048x128xf32, #tpu.memory_space<vmem>>, vector<2048x32xf32>,
    %slice3A_4 = vector.extract_strided_slice %reshape3A {offsets = [0, 1, 0], sizes = [2048, 1, 32], strides = [1, 1, 1]} : vector<2048x4x32xf32> to vector<2048x1x32xf32>
    %squeeze3A_5 = vector.shape_cast %slice3A_4 : vector<2048x1x32xf32> to vector<2048x32xf32>
    %swap3A_6 = arith.constant 0 : index
    %swap3A_7 = arith.constant 32 : index
    %swap3A_8 = vector.load %arg3[%swap3A_6, %swap3A_7] : memref<2048x128xf32, #tpu.memory_space<vmem>>, vector<2048x32xf32>
    tpu.vector_store %arg3[%swap3A_6, %swap3A_7], %squeeze3A_5 {strides = array<i32>} : memref<2048x128xf32, #tpu.memory_space<vmem>>, vector<2048x32xf32>,
    %slice3A_9 = vector.extract_strided_slice %reshape3A {offsets = [0, 2, 0], sizes = [2048, 1, 32], strides = [1, 1, 1]} : vector<2048x4x32xf32> to vector<2048x1x32xf32>
    %squeeze3A_10 = vector.shape_cast %slice3A_9 : vector<2048x1x32xf32> to vector<2048x32xf32>
    %swap3A_11 = arith.constant 0 : index
    %swap3A_12 = arith.constant 64 : index
    %swap3A_13 = vector.load %arg3[%swap3A_11, %swap3A_12] : memref<2048x128xf32, #tpu.memory_space<vmem>>, vector<2048x32xf32>
    tpu.vector_store %arg3[%swap3A_11, %swap3A_12], %squeeze3A_10 {strides = array<i32>} : memref<2048x128xf32, #tpu.memory_space<vmem>>, vector<2048x32xf32>,
    %slice3A_14 = vector.extract_strided_slice %reshape3A {offsets = [0, 3, 0], sizes = [2048, 1, 32], strides = [1, 1, 1]} : vector<2048x4x32xf32> to vector<2048x1x32xf32>
    %squeeze3A_15 = vector.shape_cast %slice3A_14 : vector<2048x1x32xf32> to vector<2048x32xf32>
    %swap3A_16 = arith.constant 0 : index
    %swap3A_17 = arith.constant 96 : index
    %swap3A_18 = vector.load %arg3[%swap3A_16, %swap3A_17] : memref<2048x128xf32, #tpu.memory_space<vmem>>, vector<2048x32xf32>
    tpu.vector_store %arg3[%swap3A_16, %swap3A_17], %squeeze3A_15 {strides = array<i32>} : memref<2048x128xf32, #tpu.memory_space<vmem>>, vector<2048x32xf32>,
    %get3A_19 = arith.constant 0 : index
    %get3A_20 = arith.constant 0 : index
    %get3A_21 = vector.load %arg2[%get3A_19, %get3A_20] : memref<32x8192xf32, #tpu.memory_space<vmem>>, vector<32x8192xf32>
    %transpose3A_22 = tpu.transpose %get3A_21, [1, 0] : vector<32x8192xf32> -> vector<8192x32xf32>
    %reshape3A_23 = vector.shape_cast %transpose3A_22 : vector<8192x32xf32> to vector<2048x4x32xf32>
    %slice3A_24 = vector.extract_strided_slice %reshape3A_23 {offsets = [0, 0, 0], sizes = [2048, 1, 32], strides = [1, 1, 1]} : vector<2048x4x32xf32> to vector<2048x1x32xf32>
    %squeeze3A_25 = vector.shape_cast %slice3A_24 : vector<2048x1x32xf32> to vector<2048x32xf32>
    %swap3A_26 = arith.constant 0 : index
    %swap3A_27 = arith.constant 0 : index
    %swap3A_28 = vector.load %arg4[%swap3A_26, %swap3A_27] : memref<2048x128xf32, #tpu.memory_space<vmem>>, vector<2048x32xf32>
    tpu.vector_store %arg4[%swap3A_26, %swap3A_27], %squeeze3A_25 {strides = array<i32>} : memref<2048x128xf32, #tpu.memory_space<vmem>>, vector<2048x32xf32>,
    %slice3A_29 = vector.extract_strided_slice %reshape3A_23 {offsets = [0, 1, 0], sizes = [2048, 1, 32], strides = [1, 1, 1]} : vector<2048x4x32xf32> to vector<2048x1x32xf32>
    %squeeze3A_30 = vector.shape_cast %slice3A_29 : vector<2048x1x32xf32> to vector<2048x32xf32>
    %swap3A_31 = arith.constant 0 : index
    %swap3A_32 = arith.constant 32 : index
    %swap3A_33 = vector.load %arg4[%swap3A_31, %swap3A_32] : memref<2048x128xf32, #tpu.memory_space<vmem>>, vector<2048x32xf32>
    tpu.vector_store %arg4[%swap3A_31, %swap3A_32], %squeeze3A_30 {strides = array<i32>} : memref<2048x128xf32, #tpu.memory_space<vmem>>, vector<2048x32xf32>,
    %slice3A_34 = vector.extract_strided_slice %reshape3A_23 {offsets = [0, 2, 0], sizes = [2048, 1, 32], strides = [1, 1, 1]} : vector<2048x4x32xf32> to vector<2048x1x32xf32>
    %squeeze3A_35 = vector.shape_cast %slice3A_34 : vector<2048x1x32xf32> to vector<2048x32xf32>
    %swap3A_36 = arith.constant 0 : index
    %swap3A_37 = arith.constant 64 : index
    %swap3A_38 = vector.load %arg4[%swap3A_36, %swap3A_37] : memref<2048x128xf32, #tpu.memory_space<vmem>>, vector<2048x32xf32>
    tpu.vector_store %arg4[%swap3A_36, %swap3A_37], %squeeze3A_35 {strides = array<i32>} : memref<2048x128xf32, #tpu.memory_space<vmem>>, vector<2048x32xf32>,
    %slice3A_39 = vector.extract_strided_slice %reshape3A_23 {offsets = [0, 3, 0], sizes = [2048, 1, 32], strides = [1, 1, 1]} : vector<2048x4x32xf32> to vector<2048x1x32xf32>
    %squeeze3A_40 = vector.shape_cast %slice3A_39 : vector<2048x1x32xf32> to vector<2048x32xf32>
    %swap3A_41 = arith.constant 0 : index
    %swap3A_42 = arith.constant 96 : index
    %swap3A_43 = vector.load %arg4[%swap3A_41, %swap3A_42] : memref<2048x128xf32, #tpu.memory_space<vmem>>, vector<2048x32xf32>
    tpu.vector_store %arg4[%swap3A_41, %swap3A_42], %squeeze3A_40 {strides = array<i32>} : memref<2048x128xf32, #tpu.memory_space<vmem>>, vector<2048x32xf32>,
    return
  }
  func.func @transform_0(%arg0: i32) -> (i32, i32) {
    %c0_i32 = arith.constant 0 : i32
    %c0_i32_0 = arith.constant 0 : i32
    return %c0_i32, %arg0 : i32, i32
  }
  func.func @transform_1(%arg0: i32) -> (i32, i32) {
    %c0_i32 = arith.constant 0 : i32
    %c0_i32_0 = arith.constant 0 : i32
    return %c0_i32, %arg0 : i32, i32
  }
  func.func @transform_2(%arg0: i32) -> (i32, i32) {
    %c0_i32 = arith.constant 0 : i32
    %c0_i32_0 = arith.constant 0 : i32
    return %arg0, %c0_i32 : i32, i32
  }
  func.func @transform_3(%arg0: i32) -> (i32, i32) {
    %c0_i32 = arith.constant 0 : i32
    %c0_i32_0 = arith.constant 0 : i32
    return %arg0, %c0_i32 : i32, i32
  }
}

</mosaic_0001>

<sc_bundles>
// kernel: kernel.6.cloned.1.call-start
scs
__scs_entry_jumppad:
0x0: {  	(pc) =	sbr.rel $0x88, $3  }
0x1: {  	(tag) =	ssettag $0x0;
	lr =	simm.s32 $0x1  }
0x2: {  	[smem:$0x3F98] =	sst lr;
	_ =	strace $0xD0000000  }
0x3: {  	_ = 	snop  }
0x4: {  	_ = 	snop  }
0x5: {  	_ = 	snop  }
0x6: {  	_ = 	snop  }
0x7: {  	_ = 	snop  }
__scs_overlays_trampoline_lowered:
0x8: {  	[smem:$0x3FA7] =	sst s0  }
0x9: {  	[smem:$0x3FA8] =	sst s1  }
0xa: {  	[smem:$0x3FA9] =	sst s2  }
0xb: {  	[smem:$0x3FAA] =	sst s3  }
0xc: {  	[smem:$0x3FAB] =	sst s4  }
0xd: {  	[smem:$0x3FAC] =	sst s5  }
0xe: {  	[smem:$0x3FAD] =	sst s6  }
0xf: {  	[smem:$0x3FAE] =	sst s7  }
0x10: {  	[smem:$0x3FAF] =	sst s8  }
0x11: {  	[smem:$0x3FB0] =	sst s9;
	s0 =	simm.s32 @!p0 $0x0  }
0x12: {  	s1 =	sld [smem:$0x3F96];
	s0 =	simm.s32 @p0 $0x1  }
0x13: {  	[smem:$0x3FB1] =	sst s0;
	s0 =	simm.s32 @!p1 $0x0  }
0x14: {  	s2 =	sld [smem:$0x3F95];
	s0 =	simm.s32 @p1 $0x1  }
0x15: {  	[smem:$0x3FB2] =	sst s0;
	s0 =	simm.s32 @!p2 $0x0  }
0x16: {  	s3 =	sld [smem:$0x3FDB];
	s0 =	simm.s32 @p2 $0x1  }
0x17: {  	s4 =	simm.s32 $0x1BF5;
	[smem:$0x3FB4] =	sst s0  }
0x18: {  	s0 =	sld [smem:$0x3F97];
	_ =	swait.ge [sflag:s4], $0x0  }
0x19: {  	s7 =	sld [smem:$0x3F98]  }
0x1a: {  	s8 =	sadd.s32 $0xFFFFE003, lr  }
0x1b: {  	s9 =	sadd.s32 $0xFFFFFEF7, lr;
	s5 =	simm.s32 $0xFFFFFFFF;
	p2 =	slt.u32 s8, $0xFFFFF086  }
0x1c: {  	p1 =	slt.u32 s9, $0xF7A;
	s5 =	simm.s32 @!p2 $0x0  }
0x1d: {  	s5 =	simm.s32 @p1 $0x1;
	p0 =	seq.s32 s7, s2  }
0x1e: {  	s7 =	smul.u32 @!p0 $0xF7A, s2;
	p2 =	seq.s32 @!p0 s5, $0x0  }
0x1f: {  	s9 =	smul.u32 $0xF7A, s1;
	s8 =	simm.s32 @!p0 $0x1BF5;
	p2 =	por !p2, p0  }
0x20: {  	[sflag:s8] =	ssyncset.s32 @!p0 $0xFFFFF086;
	s6 =	sadd.s32 @!p0 s3, s7;
	s7 =	simm.s32 @!p0 $0x108  }
0x21: {  	s3 =	sadd.s32 s3, s9;
	s6 =	sadd.s32 @!p0 $0x88, s6;
	s7 =	simm.s32 @p2 $0x1082  }
0x22: {  	[simem:s7], [sflag:s8] =	dma.local @!p0 [hbm:s6], $0xF7A  }
0x23: {  	s9 =	sor.u32 $0xD0000000, s2;
	s6 =	simm.s32 $0x108;
	_ =	swait.ge @!p0 [sflag:s8], $0x0  }
0x24: {  	s3 =	sadd.s32 $0x88, s3;
	s6 =	simm.s32 @!p1 $0x1082;
	[sflag:s4] =	ssyncset.s32 $0xFFFFF086  }
0x25: {  	[simem:s6], [sflag:s4] =	dma.local [hbm:s3], $0xF7A  }
0x26: {  	[smem:$0x3F98] =	sst s1;
	(tag) =	ssettag s2;
	_ =	strace s9  }
0x27: {  	s1 =	sld [smem:$0x3FA8]  }
0x28: {  	s2 =	sld [smem:$0x3FA9]  }
0x29: {  	s4 =	sld [smem:$0x3FAB]  }
0x2a: {  	p0 =	seq.s32 s5, $0x0;
	s5 =	sld [smem:$0x3FAC]  }
0x2b: {  	s6 =	sld [smem:$0x3FAD]  }
0x2c: {  	s7 =	sld [smem:$0x3FAE]  }
0x2d: {  	s3 =	simm.s32 $0x108;
	s8 =	sld [smem:$0x3FAF]  }
0x2e: {  	s3 =	simm.s32 @!p0 $0x1082;
	s9 =	sld [smem:$0x3FB0]  }
0x2f: {  	lr =	sadd.s32 s0, s3;
	s0 =	sld [smem:$0x3FA7]  }
0x30: {  	s3 =	sld [smem:$0x3FAA]  }
0x31: {  	[smem:$0x3FB3] =	sst s10  }
0x32: {  	s10 =	sld [smem:$0x3FB1];
	_ =	sdelay $0x3  }
0x33: {  	p0 =	seq.s32 s10, $0x1;
	s10 =	sld [smem:$0x3FB3];
	_ =	sdelay $0x3  }
0x34: {  	[smem:$0x3FB3] =	sst s10  }
0x35: {  	s10 =	sld [smem:$0x3FB2];
	_ =	sdelay $0x3  }
0x36: {  	p1 =	seq.s32 s10, $0x1;
	s10 =	sld [smem:$0x3FB3];
	_ =	sdelay $0x3  }
0x37: {  	[smem:$0x3FB3] =	sst s10  }
0x38: {  	s10 =	sld [smem:$0x3FB4]  }
0x39: {  	_ = 	snop;
	(pc) =	sbr.ind lr, $3  }
0x3a: {  	_ = 	snop  }
0x3b: {  	_ = 	snop  }
0x3c: {  	p2 =	seq.s32 s10, $0x1;
	s10 =	sld [smem:$0x3FB3]  }
0x3d: {  	_ =	shalt  }
0x3e: {  	_ =	shalt  }
0x3f: {  	_ =	shalt  }
0x40: {  	_ =	shalt  }
0x41: {  	_ =	shalt  }
0x42: {  	_ =	shalt  }
0x43: {  	_ =	shalt  }
0x44: {  	_ =	shalt  }
0x45: {  	_ =	shalt  }
0x46: {  	_ =	shalt  }
0x47: {  	_ =	shalt  }
0x48: {  	_ =	shalt  }
0x49: {  	_ =	shalt  }
0x4a: {  	_ =	shalt  }
0x4b: {  	_ =	shalt  }
0x4c: {  	_ =	shalt  }
0x4d: {  	_ =	shalt  }
0x4e: {  	_ =	shalt  }
0x4f: {  	_ =	shalt  }
0x50: {  	_ =	shalt  }
0x51: {  	_ =	shalt  }
0x52: {  	_ =	shalt  }
0x53: {  	_ =	shalt  }
0x54: {  	_ =	shalt  }
0x55: {  	_ =	shalt  }
0x56: {  	_ =	shalt  }
0x57: {  	_ =	shalt  }
0x58: {  	_ =	shalt  }
0x59: {  	_ =	shalt  }
0x5a: {  	_ =	shalt  }
0x5b: {  	_ =	shalt  }
0x5c: {  	_ =	shalt  }
0x5d: {  	_ =	shalt  }
0x5e: {  	_ =	shalt  }
0x5f: {  	_ =	shalt  }
0x60: {  	_ =	shalt  }
0x61: {  	_ =	shalt  }
0x62: {  	_ =	shalt  }
0x63: {  	_ =	shalt  }
0x64: {  	_ =	shalt  }
0x65: {  	_ =	shalt  }
0x66: {  	_ =	shalt  }
0x67: {  	_ =	shalt  }
0x68: {  	_ =	shalt  }
0x69: {  	_ =	shalt  }
0x6a: {  	_ =	shalt  }
0x6b: {  	_ =	shalt  }
0x6c: {  	_ =	shalt  }
0x6d: {  	_ =	shalt  }
0x6e: {  	_ =	shalt  }
0x6f: {  	_ =	shalt  }
0x70: {  	_ =	shalt  }
0x71: {  	_ =	shalt  }
0x72: {  	_ =	shalt  }
0x73: {  	_ =	shalt  }
0x74: {  	_ =	shalt  }
0x75: {  	_ =	shalt  }
0x76: {  	_ =	shalt  }
0x77: {  	_ =	shalt  }
0x78: {  	_ =	shalt  }
0x79: {  	_ =	shalt  }
0x7a: {  	_ =	shalt  }
0x7b: {  	_ =	shalt  }
0x7c: {  	_ =	shalt  }
0x7d: {  	_ =	shalt  }
0x7e: {  	_ =	shalt  }
0x7f: {  	_ =	shalt  }
0x80: {  	_ =	shalt  }
0x81: {  	_ =	shalt  }
0x82: {  	_ =	shalt  }
0x83: {  	_ =	shalt  }
0x84: {  	_ =	shalt  }
0x85: {  	_ =	shalt  }
0x86: {  	_ =	shalt  }
0x87: {  	_ =	shalt  }
.Lfunc_end0:
.L_simem_size_0:
called_computation_lowered:
.L_overlay_start_0:
0x88: {  	s2 =	sld [smem:$0x3FD9]  }
0x89: {  	s3 =	sld [smem:$0x3FFE];
	_ =	sdelay $0x1  }
0x8a: {  	s1 =	srdreg.scid  }
0x8b: {  	s0 =	sand.u32 $0x1, s1  }
0x8c: {  	s17 =	sshll.u32 s0, $0xA;
	s2 =	sadd.s32 s3, s2  }
0x8d: {  	s2 =	sadd.s32 s2, s17  }
0x8e: {  	[smem:$0x3FBF] =	sst s2  }
0x8f: {  	_ = 	snop  }
0x90: {  	s2 =	sld [smem:$0x3FC9]  }
0x91: {  	s18 =	sld [smem:$0x3FC8]  }
0x92: {  	s4 =	sld [smem:$0x3FD0];
	(tm) =	ssettm $0x1  }
0x93: {  	s5 =	sld [smem:$0x3FFB];
	_ =	sdelay $0x3  }
0x94: {  	_ =	strace s5  }
0x95: {  	s5 =	sld [smem:$0x3FFC];
	_ =	sdelay $0x3  }
0x96: {  	_ =	strace s5  }
0x97: {  	s5 =	sld [smem:$0x3FFD];
	_ =	sdelay $0x3  }
0x98: {  	_ =	strace s5  }
0x99: {  	_ =	strace $0x8FFFFFFF  }
0x9a: {  	s19 =	sld [smem:$0x3FDB];
	_ =	sdelay $0x1  }
0x9b: {  	s6 =	simm.s32 $_scs_section_size  }
0x9c: {  	s7 =	simm.s32 $_size__tile_overlayer_lowered;
	s8 =	simm.s32 $_tile_overlayer_lowered  }
0x9d: {  	s22 =	simm.s32 $0x1BFF;
	s21 =	sshll.u32 s8, $0x1;
	s5 =	sadd.s32 s6, s19  }
0x9e: {  	s9 =	simm.s32 $0x0;
	s20 =	sshll.u32 s7, $0x1;
	s7 =	sadd.s32 s21, s5  }
0x9f: {  	[timem:s9], [sflag:s22] =	dma.local [hbm:s7], s20  }
0xa0: {  	_ =	swait.ge [sflag:s22], s20  }
0xa1: {  	s6 =	ssub.s32 $0x0, s20;
	[sflag:s22] =	ssyncset.done $0x0  }
0xa2: {  	[sflag:s22] =	ssyncadd.s32 s6;
	_ =	sdelay $0x1  }
0xa3: {  	s23 =	simm.s32 $0x1B8B  }
0xa4: {  	_ =	swait.ge [sflag:s23], $0x1  }
0xa5: {  	[sflag:s23] =	ssyncset.done $0x0  }
0xa6: {  	s25 =	simm.s32 $0x1B8E;
	s24 =	sld [smem:$0x3FFE];
	[sflag:s23] =	ssyncadd.s32 $0xFFFFFFFF  }
0xa7: {  	s26 =	simm.s32 $execute0_lowered;
	[smem:$0x3FD2] =	sst s25  }
0xa8: {  	s7 =	sshll.u32 s26, $0x1;
	_ =	strace $0x80000046;
	[dreg:$0x1] =	wrdreg $0xFFFFFFFF  }
0xa9: {  	s28 =	simm.s32 $_size_execute0_lowered;
	s5 =	sadd.s32 s5, s7;
	[dreg:$0x0] =	wrdreg $0x0  }
0xaa: {  	s7 =	sshll.u32 s28, $0x1;
	[dreg:$0x2] =	wrdreg s5  }
0xab: {  	[dreg:$0x3] =	wrdreg s7  }
0xac: {  	[dreg:$0x4] =	wrdreg $0xC0  }
0xad: {  	_ =	task [dreg:s9], $0x5FFFF  }
0xae: {  	[dreg:$0x1] =	wrdreg $0xFFFFFFFF  }
0xaf: {  	[dreg:$0x0] =	wrdreg $0x60  }
0xb0: {  	[dreg:$0x2] =	wrdreg s2  }
0xb1: {  	[dreg:$0x3] =	wrdreg s18  }
0xb2: {  	[dreg:$0x4] =	wrdreg s24  }
0xb3: {  	[dreg:$0x5] =	wrdreg s4  }
0xb4: {  	[dreg:$0x6] =	wrdreg $0x9  }
0xb5: {  	_ =	task.clear_ibuf [dreg:s9], $0x7FFFF;
	_ =	strace $0x90000046  }
0xb6: {  	s29 =	simm.s32 $0x9;
	_ =	strace $0x80000048  }
0xb7: {  	_ =	swait.ge [sflag:s29], $0x1  }
0xb8: {  	[sflag:s29] =	ssyncadd.s32 $0xFFFFFFFF  }
0xb9: {  	_ =	strace $0x90000048  }
0xba: {  	_ =	sfence  }
0xbb: {  	s30 =	sld [smem:$0x0];
	_ =	sdelay $0x2  }
0xbc: {  	s31 =	sshll.u32 s1, $0xD;
	s1 =	sshrl.u32 s1, $0x2  }
0xbd: {  	s3 =	sand.u32 $0x4000, s31;
	s1 =	sadd.s32 s1, s30  }
0xbe: {  	s0 =	sor.u32 s3, s0;
	s1 =	sshll.u32 s1, $0x11  }
0xbf: {  	s0 =	sor.u32 s1, s0  }
0xc0: {  	s0 =	sadd.s32 $0x8F2B, s0  }
0xc1: {  	[sflag:s0] =	ssyncadd.remote.s32 $0x1  }
0xc2: {  	_ =	sfence.sel $0xFFFF  }
0xc3: {  	[dreg:$0x0] =	wrdreg $0xFFFFFFFF;
	(pc) =	sbr.abs _section_cstart, $3  }
0xc4: {  	[dreg:$0x1] =	wrdreg $0xFFFFFFFF  }
0xc5: {  	_ =	task.clear_ibuf [dreg:s9], $0x2FFFF;
	_ =	strace $0x9FFFFFFF  }
0xc6: {  	(tm) =	ssettm $0x7FFFFFFF  }
0xc7: {  	_ =	shalt  }
tec
execute0_lowered:
.L_overlay_start_1:
0x0: {  	(tag) =	ssettag $0x1  }
0x1: {  	s0 =	rddreg [dreg:$0x0]  }
0x2: {  	s3 =	rddreg [dreg:$0x1]  }
0x3: {  	s8 =	rddreg [dreg:$0x2]  }
0x4: {  	s1 =	rddreg [dreg:$0x3];
	s2 =	simm.s32 $0x0;
	v0 =	vimm.s32 $0xEFCDAB89  }
0x5: {  	s5 =	srdreg.scid;
	v1 =	vimm.s32 $0x67452301;
	v2 =	vimm.s32 $0xDCFE98BA;
	s6 =	stileid.u32;
	v3 =	vimm.s32 $0x54761032;
	s13 =	simm.s32 $0x4  }
0x6: {  	v4 =	vimm.s32 $0xBA98FEDC;
	v5 =	vimm.s32 $0x32107654;
	s14 =	simm.s32 $0x80;
	s15 =	simm.s32 $0x100;
	s16 =	simm.s32 $0x1100  }
0x7: {  	v6 =	vimm.s32 $0xFEDCBA98;
	s17 =	simm.s32 $0x2100;
	s18 =	simm.s32 $0x900;
	s19 =	simm.s32 $0x13100  }
0x8: {  	v7 =	vimm.s32 $0x76543210;
	s20 =	simm.s32 $0x2;
	s21 =	simm.s32 $0x10;
	s22 =	simm.s32 $0x1;
	v0 =	vunpack.c.l.s4.s8 v0;
	v1 =	vunpack.c.l.s4.s8 v1  }
0x9: {  	s23 =	simm.s32 $0x3;
	s24 =	simm.s32 $0x13300;
	s25 =	simm.s32 $0x0;
	v2 =	vunpack.c.l.s4.s8 v2;
	v3 =	vunpack.c.l.s4.s8 v3;
	v4 =	vunpack.c.l.s4.s8 v4  }
0xa: {  	[smem:$0x7FF] =	sst s2;
	s4 =	sadd.s32 $0xC5000, s8;
	s7 =	sand.u32 $0x1, s5;
	v5 =	vunpack.c.l.s4.s8 v5;
	v6 =	vunpack.c.l.s4.s8 v6;
	v7 =	vunpack.c.l.s4.s8 v7  }
0xb: {  	s5 =	sadd.s32 $0xF5E00, s8;
	s9 =	sshll.u32 s6, $0x8;
	s6 =	sadd.s32 $0x63400, s8;
	v0 =	vunpack.c.0.s8.s32 v0;
	v1 =	vunpack.c.0.s8.s32 v1;
	v2 =	vunpack.c.0.s8.s32 v2  }
0xc: {  	_ =	strace $0x80000047;
	s10 =	sshll.u32 s7, $0x7;
	s31 =	ssub.s32 $0x2, s7;
	v3 =	vunpack.c.0.s8.s32 v3;
	v4 =	vunpack.c.0.s8.s32 v4;
	v5 =	vunpack.c.0.s8.s32 v5  }
0xd: {  	s7 =	sadd.s32 $0x1800, s8;
	s9 =	sor.u32 s10, s9;
	s12 =	sshrl.u32 s31, $0x1;
	v0 =	vcombine.low v1, v0;
	v1 =	vunpack.c.0.s8.s32 v6  }
0xe: {  	s11 =	sshll.u32 s9, $0x2;
	s12 =	ssub.s32 s31, s12;
	s9 =	sshrl.u32 s9, $0x3;
	v2 =	vcombine.low v3, v2;
	v3 =	vcombine.low v5, v4;
	v4 =	vunpack.c.0.s8.s32 v7  }
0xf: {  	s11 =	sadd.s32 s11, s8;
	s8 =	sadd.s32 s3, s9;
	s9 =	sadd.s32 s0, s9;
	v0 =	vand.u32 $0xF, v0;
	v5 =	vand.u32 $0xF, v1  }
0x10: {  	s12 =	smax.u32 s12, $0x1;
	s10 =	sadd.s32 $0x12AC00, s11;
	s11 =	sadd.s32 $0x126C00, s11;
	v1 =	vand.u32 $0xF, v2;
	v2 =	vand.u32 $0xF, v3;
	v3 =	vcombine.low v5, v4  }
.LBB2_1:
0x11: {  	[tilespmem:s2], [sflag:$0x4] =	stream.linear.gather [hbm4b:s8+s2], $0x80, $0x38;
	[tilespmem:$0x14300] =	vst v63  }
0x12: {  	_ =	swait.ge [sflag:s13], $0x80  }
0x13: {  	[sflag:s13] =	ssyncset.done $0x0  }
0x14: {  	[sflag:s13] =	ssyncadd.s32 $0xFFFFFF80  }
0x15: {  	[tilespmem:s14], [sflag:$0x4] =	stream.linear.gather [hbm4b:s9+s2], $0x80, $0x38;
	[tilespmem:$0x14300] =	vst v63  }
0x16: {  	_ =	swait.ge [sflag:s13], $0x80  }
0x17: {  	[sflag:s13] =	ssyncset.done $0x0  }
0x18: {  	[sflag:s13] =	ssyncadd.s32 $0xFFFFFF80  }
0x19: {  	[tilespmem:s15], [sflag:$0x2] =	stream.indirect.gather [hbm4b:s4+s14], $0x10, s2, s14, $0xb8;
	[tilespmem:$0x14300] =	vst v63  }
0x1a: {  	_ = 	snop  }
0x1b: {  	[tilespmem:s16], [sflag:$0x1] =	stream.indirect.gather [hbm4b:s6+s14], $0x20, s14, s14, $0xb8;
	[tilespmem:$0x14300] =	vst v63  }
0x1c: {  	_ = 	snop  }
0x1d: {  	[tilespmem:s17], [sflag:$0x1] =	stream.indirect.gather [hbm4b:s7+s14], $0x20, s2, s14, $0xb8;
	[tilespmem:$0x14300] =	vst v63  }
0x1e: {  	_ = 	snop  }
0x1f: {  	[tilespmem:s18], [sflag:$0x1] =	stream.indirect.gather [hbm4b:s5+s14], $0x10, s2, s14, $0xb8;
	[tilespmem:$0x14300] =	vst v63  }
0x20: {  	_ = 	snop  }
0x21: {  	[tilespmem:s19], [sflag:$0x4] =	stream.linear.gather [hbm4b:s1+s2], $0x200, $0x38;
	[tilespmem:$0x14300] =	vst v63  }
0x22: {  	_ =	swait.ge [sflag:s13], $0x200  }
0x23: {  	[sflag:s13] =	ssyncset.done $0x0  }
0x24: {  	[sflag:s13] =	ssyncadd.s32 $0xFFFFFE00  }
0x25: {  	_ =	swait.ge [sflag:s20], $0x800  }
0x26: {  	[sflag:s20] =	ssyncset.done $0x0  }
0x27: {  	s0 =	simm.s32 $0x3100;
	s3 =	simm.s32 $0x100;
	[sflag:s20] =	ssyncadd.s32 $0xFFFFF800  }
0x28: {  	[tilespmem:s0], [sflag:$0x3] =	stream.indirect.gather [hbm4b:s7+s21], $0x20, s3, s21, $0xb8;
	[tilespmem:$0x14300] =	vst v63  }
0x29: {  	s3 =	simm.s32 $0x40  }
.LBB2_2:
0x2a: {  	p0 =	sne.s32 s3, $0x1FC0  }
.Ltmp0:
0x2b: {  	_ = 	snop;
	(pc) =	sbr.rel @p0 .LBB2_2-.Ltmp0, $4  }
0x2c: {  	_ = 	snop  }
0x2d: {  	s26 =	sshra.s32 s3, $0x2;
	s3 =	sadd.s32 $0x40, s3  }
0x2e: {  	s0 =	sadd.s32 $0x200, s0;
	s26 =	sadd.s32 $0x100, s26  }
0x2f: {  	[tilespmem:s0], [sflag:$0x3] =	stream.indirect.gather [hbm4b:s7+s21], $0x20, s26, s21, $0xb8;
	[tilespmem:$0x14300] =	vst v63  }
0x30: {  	_ =	swait.ge [sflag:s22], $0x1000  }
0x31: {  	[sflag:s22] =	ssyncset.done $0x0  }
0x32: {  	[sflag:s22] =	ssyncadd.s32 $0xFFFFF000  }
0x33: {  	_ =	swait.ge [sflag:s22], $0x1000  }
0x34: {  	[sflag:s22] =	ssyncset.done $0x0  }
0x35: {  	[sflag:s22] =	ssyncadd.s32 $0xFFFFF000  }
0x36: {  	_ =	swait.ge [sflag:s22], $0x800  }
0x37: {  	[sflag:s22] =	ssyncset.done $0x0  }
0x38: {  	s0 =	simm.s32 $0x80;
	[sflag:s22] =	ssyncadd.s32 $0xFFFFF800  }
.LBB2_4:
0x39: {  	p0 =	sne.s32 s0, $0x1  }
.Ltmp1:
0x3a: {  	_ = 	snop;
	(pc) =	sbr.rel @p0 .LBB2_4-.Ltmp1, $4  }
0x3b: {  	_ = 	snop  }
0x3c: {  	_ =	swait.ge [sflag:s23], $0x200  }
0x3d: {  	[sflag:s23] =	ssyncset.done $0x0  }
0x3e: {  	s0 =	sadd.s32 $0xFFFFFFFF, s0;
	[sflag:s23] =	ssyncadd.s32 $0xFFFFFE00  }
0x3f: {  	s26 =	simm.s32 $0x0  }
0x40: {  	v4 =	vld [tilespmem:s26+$0x1100];
	_ =	sdelay $0x1  }
0x41: {  	v5 =	vld [tilespmem:$0x13100];
	_ =	sdelay $0x1  }
0x42: {  	v6 =	vld [tilespmem:$0x13110]  }
0x43: {  	v7 =	vbroadcast v4, $0x0  }
0x44: {  	v8 =	vld [tilespmem:$0x13120]  }
0x45: {  	v9 =	vbroadcast v4, $0x1;
	v5 =	vmul.f32 v5, v7  }
0x46: {  	v7 =	vld [tilespmem:$0x13130]  }
0x47: {  	v33 =	vbroadcast v4, $0x2;
	v6 =	vmul.f32 v6, v9;
	v5 =	vadd.f32 $0.0e+00, v5  }
0x48: {  	v10 =	vld [tilespmem:$0x13140]  }
0x49: {  	v11 =	vbroadcast v4, $0x3;
	v5 =	vadd.f32 v6, v5;
	v6 =	vmul.f32 v8, v33  }
0x4a: {  	v34 =	vld [tilespmem:$0x13150]  }
0x4b: {  	v35 =	vbroadcast v4, $0x4;
	v5 =	vadd.f32 v6, v5;
	v6 =	vmul.f32 v7, v11  }
0x4c: {  	v7 =	vld [tilespmem:$0x13160]  }
0x4d: {  	v36 =	vbroadcast v4, $0x5;
	v5 =	vadd.f32 v6, v5;
	v6 =	vmul.f32 v10, v35  }
0x4e: {  	v37 =	vld [tilespmem:$0x13170]  }
0x4f: {  	v38 =	vbroadcast v4, $0x6;
	v5 =	vadd.f32 v6, v5;
	v6 =	vmul.f32 v34, v36  }
0x50: {  	v39 =	vld [tilespmem:$0x13180]  }
0x51: {  	v40 =	vbroadcast v4, $0x7;
	v5 =	vadd.f32 v6, v5;
	v6 =	vmul.f32 v7, v38  }
0x52: {  	v7 =	vld [tilespmem:$0x13190]  }
0x53: {  	v41 =	vbroadcast v4, $0x8;
	v5 =	vadd.f32 v6, v5;
	v6 =	vmul.f32 v37, v40  }
0x54: {  	v42 =	vld [tilespmem:$0x131A0]  }
0x55: {  	v43 =	vbroadcast v4, $0x9;
	v5 =	vadd.f32 v6, v5;
	v6 =	vmul.f32 v39, v41  }
0x56: {  	v44 =	vld [tilespmem:$0x131B0]  }
0x57: {  	v5 =	vadd.f32 v6, v5;
	v6 =	vmul.f32 v7, v43;
	v7 =	vbroadcast v4, $0xA  }
0x58: {  	v45 =	vld [tilespmem:$0x131C0]  }
0x59: {  	v46 =	vbroadcast v4, $0xB;
	v5 =	vadd.f32 v6, v5;
	v6 =	vmul.f32 v42, v7  }
0x5a: {  	v7 =	vld [tilespmem:$0x131D0]  }
0x5b: {  	v47 =	vbroadcast v4, $0xC;
	v5 =	vadd.f32 v6, v5;
	v6 =	vmul.f32 v44, v46  }
0x5c: {  	v48 =	vld [tilespmem:$0x131E0]  }
0x5d: {  	v50 =	vld [tilespmem:$0x131F0];
	v49 =	vbroadcast v4, $0xD;
	v5 =	vadd.f32 v6, v5;
	v6 =	vmul.f32 v45, v47  }
0x5e: {  	v12 =	vld [tilespmem:s26+$0x1110]  }
0x5f: {  	v51 =	vbroadcast v4, $0xE;
	v5 =	vadd.f32 v6, v5;
	v6 =	vmul.f32 v7, v49  }
0x60: {  	v7 =	vld [tilespmem:$0x13200]  }
0x61: {  	v4 =	vbroadcast v4, $0xF;
	v5 =	vadd.f32 v6, v5;
	v6 =	vmul.f32 v48, v51  }
0x62: {  	v52 =	vld [tilespmem:$0x13210]  }
0x63: {  	v53 =	vbroadcast v12, $0x0;
	v4 =	vmul.f32 v50, v4;
	v5 =	vadd.f32 v6, v5  }
0x64: {  	v6 =	vld [tilespmem:$0x13220]  }
0x65: {  	v54 =	vbroadcast v12, $0x1;
	v4 =	vadd.f32 v4, v5;
	v5 =	vmul.f32 v7, v53  }
0x66: {  	v7 =	vld [tilespmem:$0x13230]  }
0x67: {  	v55 =	vbroadcast v12, $0x2;
	v4 =	vadd.f32 v5, v4;
	v5 =	vmul.f32 v52, v54  }
0x68: {  	v56 =	vld [tilespmem:$0x13240]  }
0x69: {  	v57 =	vbroadcast v12, $0x3;
	v4 =	vadd.f32 v5, v4;
	v5 =	vmul.f32 v6, v55  }
0x6a: {  	v6 =	vld [tilespmem:$0x13250]  }
0x6b: {  	v58 =	vbroadcast v12, $0x4;
	v4 =	vadd.f32 v5, v4;
	v5 =	vmul.f32 v7, v57  }
0x6c: {  	v7 =	vld [tilespmem:$0x13260]  }
0x6d: {  	v59 =	vbroadcast v12, $0x5;
	v4 =	vadd.f32 v5, v4;
	v5 =	vmul.f32 v56, v58  }
0x6e: {  	v60 =	vld [tilespmem:$0x13270]  }
0x6f: {  	v61 =	vbroadcast v12, $0x6;
	v4 =	vadd.f32 v5, v4;
	v5 =	vmul.f32 v6, v59  }
0x70: {  	v6 =	vld [tilespmem:$0x13280]  }
0x71: {  	v4 =	vadd.f32 v5, v4;
	v5 =	vmul.f32 v7, v61;
	v7 =	vbroadcast v12, $0x7  }
0x72: {  	v62 =	vld [tilespmem:$0x13290]  }
0x73: {  	v4 =	vadd.f32 v5, v4;
	v5 =	vmul.f32 v60, v7;
	v7 =	vbroadcast v12, $0x8  }
0x74: {  	v63 =	vld [tilespmem:$0x132A0]  }
0x75: {  	v13 =	vbroadcast v12, $0x9;
	v4 =	vadd.f32 v5, v4;
	v5 =	vmul.f32 v6, v7  }
0x76: {  	v6 =	vld [tilespmem:$0x132B0]  }
0x77: {  	v7 =	vbroadcast v12, $0xA;
	v4 =	vadd.f32 v5, v4;
	v5 =	vmul.f32 v62, v13  }
0x78: {  	v14 =	vld [tilespmem:$0x132C0]  }
0x79: {  	v4 =	vadd.f32 v5, v4;
	v5 =	vmul.f32 v63, v7;
	v7 =	vbroadcast v12, $0xB  }
0x7a: {  	v15 =	vld [tilespmem:$0x132D0]  }
0x7b: {  	v16 =	vbroadcast v12, $0xC;
	v4 =	vadd.f32 v5, v4;
	v5 =	vmul.f32 v6, v7  }
0x7c: {  	v6 =	vld [tilespmem:$0x132E0]  }
0x7d: {  	v7 =	vbroadcast v12, $0xD;
	v4 =	vadd.f32 v5, v4;
	v5 =	vmul.f32 v14, v16  }
0x7e: {  	v17 =	vld [tilespmem:$0x132F0]  }
0x7f: {  	v4 =	vadd.f32 v5, v4;
	v5 =	vmul.f32 v15, v7;
	v7 =	vbroadcast v12, $0xE;
	_ =	sdelay $0x1  }
0x80: {  	s28 =	simm.s32 $0x900;
	v18 =	vbroadcast v12, $0xF;
	v4 =	vadd.f32 v5, v4;
	v5 =	vmul.f32 v6, v7  }
0x81: {  	v6 =	vld [tilespmem:s28+$0x0]  }
0x82: {  	v4 =	vadd.f32 v5, v4;
	v5 =	vmul.f32 v17, v18;
	_ =	sdelay $0x1  }
0x83: {  	v4 =	vadd.f32 v5, v4;
	_ =	sdelay $0x1  }
0x84: {  	v4 =	vperm.xlane v4, v6;
	_ =	sdelay $0x1  }
0x85: {  	v5 =	vperm.xlane v4, v0;
	_ =	sdelay $0x1  }
0x86: {  	v5 =	vmax.f32 v4, v5  }
0x87: {  	v6 =	vperm.xlane v5, v1;
	_ =	sdelay $0x1  }
0x88: {  	v5 =	vmax.f32 v5, v6  }
0x89: {  	v6 =	vperm.xlane v5, v2;
	_ =	sdelay $0x1  }
0x8a: {  	v5 =	vmax.f32 v5, v6  }
0x8b: {  	v6 =	vperm.xlane v5, v3;
	_ =	sdelay $0x1  }
0x8c: {  	v5 =	vmax.f32 v5, v6  }
0x8d: {  	v4 =	vsub.f32 v4, v5;
	_ =	sdelay $0x1  }
0x8e: {  	v4 =	vmul.f32 $1.442695020e+00, v4;
	_ =	sdelay $0x1  }
0x8f: {  	(erf) = vpow2.f32 v4;
	_ =	sdelay $0x8  }
0x90: {  	v4 =	vpop (erf)  }
0x91: {  	v5 =	vperm.xlane v4, v0;
	_ =	sdelay $0x1  }
0x92: {  	v5 =	vadd.f32 v4, v5;
	_ =	sdelay $0x1  }
0x93: {  	v6 =	vperm.xlane v5, v1;
	_ =	sdelay $0x1  }
0x94: {  	v5 =	vadd.f32 v5, v6;
	_ =	sdelay $0x1  }
0x95: {  	v6 =	vperm.xlane v5, v2;
	_ =	sdelay $0x1  }
0x96: {  	v5 =	vadd.f32 v5, v6;
	_ =	sdelay $0x1  }
0x97: {  	v6 =	vperm.xlane v5, v3;
	_ =	sdelay $0x1  }
0x98: {  	v5 =	vadd.f32 v5, v6;
	_ =	sdelay $0x1  }
0x99: {  	(erf) = vrcp.f32 v5;
	_ =	sdelay $0x4  }
0x9a: {  	s29 =	simm.s32 $0x3200  }
0x9b: {  	v19 =	vld [tilespmem:s29+$0xFFFFFF00]  }
0x9c: {  	v21 =	vld [tilespmem:s29+$0xFFFFFF30]  }
0x9d: {  	v22 =	vld [tilespmem:s29+$0xFFFFFF20]  }
0x9e: {  	v7 =	vld [tilespmem:s29+$0xFFFFFF10];
	v20 =	vpop (erf)  }
0x9f: {  	v6 =	vld [tilespmem:s26+$0x2100];
	v4 =	vmul.f32 v20, v4  }
0xa0: {  	v5 =	vld [tilespmem:s26+$0x2110]  }
0xa1: {  	v24 =	vld [tilespmem:s29+$0xFFFFFF50];
	v23 =	vbroadcast v4, $0x0  }
0xa2: {  	v14 =	vld [tilespmem:s29+$0xFFFFFF40];
	v13 =	vbroadcast v4, $0x1  }
0xa3: {  	v25 =	vld [tilespmem:s29+$0xFFFFFF70];
	v8 =	vmul.f32 v23, v19;
	v7 =	vmul.f32 v23, v7  }
0xa4: {  	v16 =	vld [tilespmem:s29+$0xFFFFFF60];
	v15 =	vbroadcast v4, $0x2;
	v9 =	vmul.f32 v13, v21  }
0xa5: {  	v26 =	vld [tilespmem:s29+$0xFFFFFF90];
	v6 =	vadd.f32 v8, v6;
	v5 =	vadd.f32 v7, v5;
	v7 =	vmul.f32 v13, v22  }
0xa6: {  	v28 =	vld [tilespmem:s29+$0xFFFFFF80];
	v27 =	vbroadcast v4, $0x3;
	v12 =	vmul.f32 v24, v15  }
0xa7: {  	v29 =	vld [tilespmem:s29+$0xFFFFFFB0];
	v6 =	vadd.f32 v6, v7;
	v5 =	vadd.f32 v5, v9;
	v7 =	vmul.f32 v14, v15  }
0xa8: {  	v31 =	vld [tilespmem:s29+$0xFFFFFFA0];
	v30 =	vbroadcast v4, $0x4;
	v11 =	vmul.f32 v25, v27  }
0xa9: {  	v32 =	vld [tilespmem:s29+$0xFFFFFFD0];
	v6 =	vadd.f32 v6, v7;
	v5 =	vadd.f32 v5, v12;
	v7 =	vmul.f32 v16, v27  }
0xaa: {  	v34 =	vld [tilespmem:s29+$0xFFFFFFC0];
	v33 =	vbroadcast v4, $0x5;
	v8 =	vmul.f32 v26, v30  }
0xab: {  	v35 =	vld [tilespmem:s29+$0xFFFFFFF0];
	v6 =	vadd.f32 v6, v7;
	v5 =	vadd.f32 v11, v5;
	v7 =	vmul.f32 v28, v30  }
0xac: {  	v37 =	vld [tilespmem:s29+$0xFFFFFFE0];
	v36 =	vbroadcast v4, $0x6;
	v9 =	vmul.f32 v29, v33  }
0xad: {  	v38 =	vld [tilespmem:s29+$0x10];
	v6 =	vadd.f32 v7, v6;
	v5 =	vadd.f32 v8, v5;
	v7 =	vmul.f32 v31, v33  }
0xae: {  	v40 =	vld [tilespmem:s29+$0x0];
	v39 =	vbroadcast v4, $0x7;
	v10 =	vmul.f32 v32, v36  }
0xaf: {  	v41 =	vld [tilespmem:s29+$0x30];
	v6 =	vadd.f32 v7, v6;
	v5 =	vadd.f32 v9, v5;
	v7 =	vmul.f32 v34, v36  }
0xb0: {  	v43 =	vld [tilespmem:s29+$0x20];
	v42 =	vbroadcast v4, $0x8;
	v11 =	vmul.f32 v35, v39  }
0xb1: {  	v44 =	vld [tilespmem:s29+$0x50];
	v6 =	vadd.f32 v7, v6;
	v5 =	vadd.f32 v10, v5;
	v7 =	vmul.f32 v37, v39  }
0xb2: {  	v46 =	vld [tilespmem:s29+$0x40];
	v45 =	vbroadcast v4, $0x9;
	v8 =	vmul.f32 v38, v42  }
0xb3: {  	v47 =	vld [tilespmem:s29+$0x70];
	v6 =	vadd.f32 v7, v6;
	v5 =	vadd.f32 v11, v5;
	v7 =	vmul.f32 v40, v42  }
0xb4: {  	v49 =	vld [tilespmem:s29+$0x60];
	v48 =	vbroadcast v4, $0xA;
	v9 =	vmul.f32 v41, v45  }
0xb5: {  	v50 =	vld [tilespmem:s29+$0x90];
	v6 =	vadd.f32 v7, v6;
	v5 =	vadd.f32 v8, v5;
	v7 =	vmul.f32 v43, v45  }
0xb6: {  	v52 =	vld [tilespmem:s29+$0x80];
	v51 =	vbroadcast v4, $0xB;
	v10 =	vmul.f32 v44, v48  }
0xb7: {  	v53 =	vld [tilespmem:s29+$0xB0];
	v6 =	vadd.f32 v7, v6;
	v5 =	vadd.f32 v9, v5;
	v7 =	vmul.f32 v46, v48  }
0xb8: {  	v55 =	vld [tilespmem:s29+$0xA0];
	v54 =	vbroadcast v4, $0xC;
	v11 =	vmul.f32 v47, v51  }
0xb9: {  	v56 =	vld [tilespmem:s29+$0xD0];
	v6 =	vadd.f32 v7, v6;
	v5 =	vadd.f32 v10, v5;
	v7 =	vmul.f32 v49, v51  }
0xba: {  	v58 =	vld [tilespmem:s29+$0xC0];
	v57 =	vbroadcast v4, $0xD;
	v8 =	vmul.f32 v50, v54  }
0xbb: {  	v59 =	vld [tilespmem:s29+$0xF0];
	v6 =	vadd.f32 v7, v6;
	v5 =	vadd.f32 v11, v5;
	v7 =	vmul.f32 v52, v54  }
0xbc: {  	v61 =	vld [tilespmem:s29+$0xE0];
	v60 =	vbroadcast v4, $0xE;
	v9 =	vmul.f32 v53, v57  }
0xbd: {  	v6 =	vadd.f32 v7, v6;
	v5 =	vadd.f32 v8, v5;
	v7 =	vmul.f32 v55, v57  }
0xbe: {  	v4 =	vbroadcast v4, $0xF;
	v62 =	vmul.f32 v56, v60  }
0xbf: {  	v6 =	vadd.f32 v7, v6;
	v5 =	vadd.f32 v9, v5;
	v7 =	vmul.f32 v58, v60  }
0xc0: {  	v63 =	vmul.f32 v59, v4  }
0xc1: {  	v4 =	vmul.f32 v61, v4;
	v6 =	vadd.f32 v7, v6;
	v7 =	vadd.f32 v62, v5;
	_ =	sdelay $0x1  }
0xc2: {  	s31 =	simm.s32 $0x100;
	s0 =	simm.s32 $0x20;
	v5 =	vadd.f32 v4, v6;
	v4 =	vadd.f32 v63, v7  }
.LBB2_6:
0xc3: {  	s28 =	sadd.s32 $0x10, s28  }
0xc4: {  	v6 =	vld [tilespmem:s0+$0x1100];
	[tilespmem:s26+$0x13300] =	vst v5;
	s29 =	sadd.s32 $0x200, s29;
	s30 =	smov.u32 s31;
	s3 =	sadd.s32 $0x80, s31  }
0xc5: {  	p0 =	sne.s32 s31, $0x3F80;
	[tilespmem:s26+$0x13310] =	vst v4;
	s26 =	smov.u32 s0  }
0xc6: {  	v4 =	vld [tilespmem:$0x13100];
	_ =	sdelay $0x1  }
0xc7: {  	v5 =	vld [tilespmem:$0x13110]  }
0xc8: {  	v7 =	vbroadcast v6, $0x0;
	v8 =	vbroadcast v6, $0x1  }
0xc9: {  	v10 =	vbroadcast v6, $0x3;
	v11 =	vbroadcast v6, $0x4;
	v9 =	vld [tilespmem:$0x13120]  }
0xca: {  	v4 =	vmul.f32 v4, v7;
	v7 =	vbroadcast v6, $0x5  }
0xcb: {  	v13 =	vbroadcast v6, $0x6;
	v14 =	vbroadcast v6, $0x7;
	v12 =	vld [tilespmem:$0x13130]  }
0xcc: {  	v4 =	vadd.f32 $0.0e+00, v4;
	v5 =	vmul.f32 v5, v8;
	v8 =	vbroadcast v6, $0x2  }
0xcd: {  	v16 =	vbroadcast v6, $0x8;
	v17 =	vbroadcast v6, $0x9;
	v15 =	vld [tilespmem:$0x13140]  }
0xce: {  	v4 =	vadd.f32 v5, v4;
	v5 =	vmul.f32 v9, v8;
	v8 =	vbroadcast v6, $0xB  }
0xcf: {  	v18 =	vbroadcast v6, $0xC;
	v19 =	vbroadcast v6, $0xD;
	v9 =	vld [tilespmem:$0x13150]  }
0xd0: {  	v4 =	vadd.f32 v5, v4;
	v5 =	vmul.f32 v12, v10;
	v10 =	vbroadcast v6, $0xE  }
0xd1: {  	v20 =	vbroadcast v6, $0xF;
	v12 =	vld [tilespmem:$0x13160]  }
0xd2: {  	v4 =	vadd.f32 v5, v4;
	v5 =	vmul.f32 v15, v11  }
0xd3: {  	v11 =	vld [tilespmem:$0x13170]  }
0xd4: {  	v4 =	vadd.f32 v5, v4;
	v5 =	vmul.f32 v9, v7  }
0xd5: {  	v7 =	vld [tilespmem:$0x13180]  }
0xd6: {  	v4 =	vadd.f32 v5, v4;
	v5 =	vmul.f32 v12, v13  }
0xd7: {  	v9 =	vld [tilespmem:$0x13190]  }
0xd8: {  	v4 =	vadd.f32 v5, v4;
	v5 =	vmul.f32 v11, v14  }
0xd9: {  	v11 =	vld [tilespmem:$0x131A0]  }
0xda: {  	v4 =	vadd.f32 v5, v4;
	v5 =	vmul.f32 v7, v16  }
0xdb: {  	v7 =	vld [tilespmem:$0x131B0]  }
0xdc: {  	v6 =	vbroadcast v6, $0xA;
	v4 =	vadd.f32 v5, v4;
	v5 =	vmul.f32 v9, v17  }
0xdd: {  	v9 =	vld [tilespmem:$0x131C0]  }
0xde: {  	v4 =	vadd.f32 v5, v4;
	v5 =	vmul.f32 v11, v6  }
0xdf: {  	v6 =	vld [tilespmem:$0x131D0]  }
0xe0: {  	v4 =	vadd.f32 v5, v4;
	v5 =	vmul.f32 v7, v8  }
0xe1: {  	v7 =	vld [tilespmem:$0x131E0]  }
0xe2: {  	v8 =	vld [tilespmem:s26+$0x1110];
	v4 =	vadd.f32 v5, v4;
	v5 =	vmul.f32 v9, v18  }
0xe3: {  	v9 =	vld [tilespmem:$0x131F0]  }
0xe4: {  	v4 =	vadd.f32 v5, v4;
	v5 =	vmul.f32 v6, v19  }
0xe5: {  	v6 =	vld [tilespmem:$0x13200]  }
0xe6: {  	v4 =	vadd.f32 v5, v4;
	v5 =	vmul.f32 v7, v10  }
0xe7: {  	v7 =	vbroadcast v8, $0x0;
	v10 =	vld [tilespmem:$0x13210];
	v11 =	vbroadcast v8, $0x5  }
0xe8: {  	v4 =	vadd.f32 v5, v4;
	v5 =	vmul.f32 v9, v20;
	v9 =	vbroadcast v8, $0xD  }
0xe9: {  	v12 =	vbroadcast v8, $0x1;
	v14 =	vbroadcast v8, $0xF;
	v13 =	vld [tilespmem:$0x13220]  }
0xea: {  	v4 =	vadd.f32 v5, v4;
	v5 =	vmul.f32 v6, v7;
	v6 =	vbroadcast v8, $0x2  }
0xeb: {  	v15 =	vbroadcast v8, $0x3;
	v16 =	vbroadcast v8, $0x4;
	v7 =	vld [tilespmem:$0x13230]  }
0xec: {  	v4 =	vadd.f32 v5, v4;
	v5 =	vmul.f32 v10, v12;
	v10 =	vbroadcast v8, $0x6  }
0xed: {  	v17 =	vbroadcast v8, $0x9;
	v18 =	vbroadcast v8, $0xC;
	v12 =	vld [tilespmem:$0x13240]  }
0xee: {  	v4 =	vadd.f32 v5, v4;
	v5 =	vmul.f32 v13, v6  }
0xef: {  	v6 =	vld [tilespmem:$0x13250]  }
0xf0: {  	v4 =	vadd.f32 v5, v4;
	v5 =	vmul.f32 v7, v15  }
0xf1: {  	v7 =	vld [tilespmem:$0x13260]  }
0xf2: {  	v4 =	vadd.f32 v5, v4;
	v5 =	vmul.f32 v12, v16  }
0xf3: {  	v12 =	vld [tilespmem:$0x13270]  }
0xf4: {  	v4 =	vadd.f32 v5, v4;
	v5 =	vmul.f32 v6, v11  }
0xf5: {  	v6 =	vld [tilespmem:$0x13280]  }
0xf6: {  	v4 =	vadd.f32 v5, v4;
	v5 =	vmul.f32 v7, v10;
	v7 =	vbroadcast v8, $0x7  }
0xf7: {  	v10 =	vld [tilespmem:$0x13290]  }
0xf8: {  	v4 =	vadd.f32 v5, v4;
	v5 =	vmul.f32 v12, v7;
	v7 =	vbroadcast v8, $0x8  }
0xf9: {  	v11 =	vld [tilespmem:$0x132A0]  }
0xfa: {  	v4 =	vadd.f32 v5, v4;
	v5 =	vmul.f32 v6, v7  }
0xfb: {  	v6 =	vld [tilespmem:$0x132B0]  }
0xfc: {  	v7 =	vbroadcast v8, $0xA;
	v4 =	vadd.f32 v5, v4;
	v5 =	vmul.f32 v10, v17  }
0xfd: {  	v10 =	vld [tilespmem:$0x132C0]  }
0xfe: {  	v4 =	vadd.f32 v5, v4;
	v5 =	vmul.f32 v11, v7;
	v7 =	vbroadcast v8, $0xB  }
0xff: {  	v11 =	vld [tilespmem:$0x132D0]  }
0x100: {  	v4 =	vadd.f32 v5, v4;
	v5 =	vmul.f32 v6, v7  }
0x101: {  	v6 =	vld [tilespmem:$0x132E0]  }
0x102: {  	v4 =	vadd.f32 v5, v4;
	v5 =	vmul.f32 v10, v18  }
0x103: {  	v7 =	vld [tilespmem:$0x132F0]  }
0x104: {  	v8 =	vbroadcast v8, $0xE;
	v4 =	vadd.f32 v5, v4;
	v5 =	vmul.f32 v11, v9;
	_ =	sdelay $0x1  }
0x105: {  	v4 =	vadd.f32 v5, v4;
	v5 =	vmul.f32 v6, v8  }
0x106: {  	v6 =	vld [tilespmem:s28+$0x0]  }
0x107: {  	v4 =	vadd.f32 v5, v4;
	v5 =	vmul.f32 v7, v14;
	_ =	sdelay $0x1  }
0x108: {  	v4 =	vadd.f32 v5, v4;
	_ =	sdelay $0x1  }
0x109: {  	v4 =	vperm.xlane v4, v6;
	_ =	sdelay $0x1  }
0x10a: {  	v5 =	vperm.xlane v4, v0;
	_ =	sdelay $0x1  }
0x10b: {  	v5 =	vmax.f32 v4, v5  }
0x10c: {  	v6 =	vperm.xlane v5, v1;
	_ =	sdelay $0x1  }
0x10d: {  	v5 =	vmax.f32 v5, v6  }
0x10e: {  	v6 =	vperm.xlane v5, v2;
	_ =	sdelay $0x1  }
0x10f: {  	v5 =	vmax.f32 v5, v6  }
0x110: {  	v6 =	vperm.xlane v5, v3;
	_ =	sdelay $0x1  }
0x111: {  	v5 =	vmax.f32 v5, v6  }
0x112: {  	v4 =	vsub.f32 v4, v5;
	_ =	sdelay $0x1  }
0x113: {  	v4 =	vmul.f32 $1.442695020e+00, v4;
	_ =	sdelay $0x1  }
0x114: {  	(erf) = vpow2.f32 v4;
	_ =	sdelay $0x8  }
0x115: {  	v4 =	vpop (erf)  }
0x116: {  	v5 =	vperm.xlane v4, v0;
	_ =	sdelay $0x1  }
0x117: {  	v5 =	vadd.f32 v4, v5;
	_ =	sdelay $0x1  }
0x118: {  	v6 =	vperm.xlane v5, v1;
	_ =	sdelay $0x1  }
0x119: {  	v5 =	vadd.f32 v5, v6;
	_ =	sdelay $0x1  }
0x11a: {  	v6 =	vperm.xlane v5, v2;
	_ =	sdelay $0x1  }
0x11b: {  	v5 =	vadd.f32 v5, v6;
	_ =	sdelay $0x1  }
0x11c: {  	v6 =	vperm.xlane v5, v3;
	_ =	sdelay $0x1  }
0x11d: {  	v5 =	vadd.f32 v5, v6;
	_ =	sdelay $0x1  }
0x11e: {  	(erf) = vrcp.f32 v5;
	_ =	sdelay $0x5  }
0x11f: {  	v5 =	vld [tilespmem:s26+$0x2110]  }
0x120: {  	v6 =	vld [tilespmem:s26+$0x2100]  }
0x121: {  	v7 =	vld [tilespmem:s29+$0xFFFFFF10]  }
0x122: {  	v8 =	vld [tilespmem:s29+$0xFFFFFF00];
	v9 =	vpop (erf)  }
0x123: {  	v4 =	vmul.f32 v9, v4;
	v9 =	vld [tilespmem:s29+$0xFFFFFF30]  }
0x124: {  	v10 =	vld [tilespmem:s29+$0xFFFFFF20]  }
0x125: {  	v11 =	vbroadcast v4, $0x0;
	v12 =	vbroadcast v4, $0x1;
	v13 =	vld [tilespmem:s29+$0xFFFFFF50]  }
0x126: {  	v15 =	vbroadcast v4, $0x2;
	v16 =	vbroadcast v4, $0x3;
	v14 =	vld [tilespmem:s29+$0xFFFFFF40]  }
0x127: {  	v8 =	vmul.f32 v11, v8;
	v7 =	vmul.f32 v11, v7;
	v11 =	vld [tilespmem:s29+$0xFFFFFF70]  }
0x128: {  	v18 =	vbroadcast v4, $0x4;
	v9 =	vmul.f32 v12, v9;
	v17 =	vld [tilespmem:s29+$0xFFFFFF60]  }
0x129: {  	v6 =	vadd.f32 v8, v6;
	v5 =	vadd.f32 v7, v5;
	v7 =	vmul.f32 v12, v10;
	v8 =	vld [tilespmem:s29+$0xFFFFFF90]  }
0x12a: {  	v10 =	vmul.f32 v13, v15;
	v12 =	vld [tilespmem:s29+$0xFFFFFF80];
	v13 =	vbroadcast v4, $0x5  }
0x12b: {  	v6 =	vadd.f32 v6, v7;
	v5 =	vadd.f32 v5, v9;
	v7 =	vmul.f32 v14, v15;
	v9 =	vld [tilespmem:s29+$0xFFFFFFB0]  }
0x12c: {  	v15 =	vbroadcast v4, $0x6;
	v11 =	vmul.f32 v11, v16;
	v14 =	vld [tilespmem:s29+$0xFFFFFFA0]  }
0x12d: {  	v6 =	vadd.f32 v6, v7;
	v5 =	vadd.f32 v5, v10;
	v7 =	vmul.f32 v17, v16;
	v10 =	vld [tilespmem:s29+$0xFFFFFFD0]  }
0x12e: {  	v17 =	vbroadcast v4, $0x7;
	v8 =	vmul.f32 v8, v18;
	v16 =	vld [tilespmem:s29+$0xFFFFFFC0]  }
0x12f: {  	v6 =	vadd.f32 v6, v7;
	v5 =	vadd.f32 v11, v5;
	v7 =	vmul.f32 v12, v18;
	v11 =	vld [tilespmem:s29+$0xFFFFFFF0]  }
0x130: {  	v18 =	vbroadcast v4, $0x8;
	v9 =	vmul.f32 v9, v13;
	v12 =	vld [tilespmem:s29+$0xFFFFFFE0]  }
0x131: {  	v6 =	vadd.f32 v7, v6;
	v5 =	vadd.f32 v8, v5;
	v7 =	vmul.f32 v14, v13;
	v8 =	vld [tilespmem:s29+$0x10]  }
0x132: {  	v14 =	vbroadcast v4, $0x9;
	v10 =	vmul.f32 v10, v15;
	v13 =	vld [tilespmem:s29+$0x0]  }
0x133: {  	v6 =	vadd.f32 v7, v6;
	v5 =	vadd.f32 v9, v5;
	v7 =	vmul.f32 v16, v15;
	v9 =	vld [tilespmem:s29+$0x30]  }
0x134: {  	v16 =	vbroadcast v4, $0xA;
	v11 =	vmul.f32 v11, v17;
	v15 =	vld [tilespmem:s29+$0x20]  }
0x135: {  	v6 =	vadd.f32 v7, v6;
	v5 =	vadd.f32 v10, v5;
	v7 =	vmul.f32 v12, v17;
	v10 =	vld [tilespmem:s29+$0x50]  }
0x136: {  	v17 =	vbroadcast v4, $0xB;
	v8 =	vmul.f32 v8, v18;
	v12 =	vld [tilespmem:s29+$0x40]  }
0x137: {  	v6 =	vadd.f32 v7, v6;
	v5 =	vadd.f32 v11, v5;
	v7 =	vmul.f32 v13, v18;
	v11 =	vld [tilespmem:s29+$0x70]  }
0x138: {  	v18 =	vbroadcast v4, $0xC;
	v9 =	vmul.f32 v9, v14;
	v13 =	vld [tilespmem:s29+$0x60]  }
0x139: {  	v6 =	vadd.f32 v7, v6;
	v5 =	vadd.f32 v8, v5;
	v7 =	vmul.f32 v15, v14;
	v8 =	vld [tilespmem:s29+$0x90]  }
0x13a: {  	v15 =	vbroadcast v4, $0xD;
	v10 =	vmul.f32 v10, v16;
	v14 =	vld [tilespmem:s29+$0x80]  }
0x13b: {  	v6 =	vadd.f32 v7, v6;
	v5 =	vadd.f32 v9, v5;
	v7 =	vmul.f32 v12, v16;
	v9 =	vld [tilespmem:s29+$0xB0]  }
0x13c: {  	v16 =	vbroadcast v4, $0xE;
	v11 =	vmul.f32 v11, v17;
	v12 =	vld [tilespmem:s29+$0xA0]  }
0x13d: {  	v6 =	vadd.f32 v7, v6;
	v5 =	vadd.f32 v10, v5;
	v7 =	vmul.f32 v13, v17;
	v10 =	vld [tilespmem:s29+$0xD0]  }
0x13e: {  	v4 =	vbroadcast v4, $0xF;
	v8 =	vmul.f32 v8, v18;
	v13 =	vld [tilespmem:s29+$0xC0]  }
0x13f: {  	v6 =	vadd.f32 v7, v6;
	v5 =	vadd.f32 v11, v5;
	v7 =	vmul.f32 v14, v18;
	v11 =	vld [tilespmem:s29+$0xF0]  }
0x140: {  	v9 =	vmul.f32 v9, v15;
	v14 =	vld [tilespmem:s29+$0xE0]  }
0x141: {  	v6 =	vadd.f32 v7, v6;
	v5 =	vadd.f32 v8, v5;
	v7 =	vmul.f32 v12, v15  }
0x142: {  	v8 =	vmul.f32 v10, v16  }
0x143: {  	v6 =	vadd.f32 v7, v6;
	v5 =	vadd.f32 v9, v5;
	v7 =	vmul.f32 v13, v16  }
.Ltmp2:
0x144: {  	v9 =	vmul.f32 v11, v4;
	(pc) =	sbr.rel @p0 .LBB2_6-.Ltmp2, $3  }
0x145: {  	v6 =	vadd.f32 v7, v6;
	v7 =	vadd.f32 v8, v5;
	v4 =	vmul.f32 v14, v4;
	_ =	sdelay $0x1  }
0x146: {  	v5 =	vadd.f32 v4, v6;
	v4 =	vadd.f32 v9, v7  }
0x147: {  	s0 =	sshra.s32 s30, $0x2;
	s31 =	smov.u32 s3  }
0x148: {  	v6 =	vld [tilespmem:s0+$0x1100];
	[tilespmem:s26+$0x13300] =	vst v5  }
0x149: {  	[tilespmem:s26+$0x13310] =	vst v4  }
0x14a: {  	v4 =	vld [tilespmem:$0x13100];
	_ =	sdelay $0x1  }
0x14b: {  	v5 =	vld [tilespmem:$0x13110]  }
0x14c: {  	v7 =	vbroadcast v6, $0x0  }
0x14d: {  	v8 =	vld [tilespmem:$0x13120]  }
0x14e: {  	v9 =	vbroadcast v6, $0x1;
	v4 =	vmul.f32 v4, v7  }
0x14f: {  	v28 =	vld [tilespmem:$0x13130]  }
0x150: {  	v29 =	vbroadcast v6, $0x2;
	v5 =	vmul.f32 v5, v9;
	v4 =	vadd.f32 $0.0e+00, v4  }
0x151: {  	v10 =	vld [tilespmem:$0x13140]  }
0x152: {  	v11 =	vbroadcast v6, $0x3;
	v4 =	vadd.f32 v5, v4;
	v5 =	vmul.f32 v8, v29  }
0x153: {  	v30 =	vld [tilespmem:$0x13150]  }
0x154: {  	v31 =	vbroadcast v6, $0x4;
	v4 =	vadd.f32 v5, v4;
	v5 =	vmul.f32 v28, v11  }
0x155: {  	v32 =	vld [tilespmem:$0x13160]  }
0x156: {  	v33 =	vbroadcast v6, $0x5;
	v4 =	vadd.f32 v5, v4;
	v5 =	vmul.f32 v10, v31  }
0x157: {  	v34 =	vld [tilespmem:$0x13170]  }
0x158: {  	v35 =	vbroadcast v6, $0x6;
	v4 =	vadd.f32 v5, v4;
	v5 =	vmul.f32 v30, v33  }
0x159: {  	v36 =	vld [tilespmem:$0x13180]  }
0x15a: {  	v37 =	vbroadcast v6, $0x7;
	v4 =	vadd.f32 v5, v4;
	v5 =	vmul.f32 v32, v35  }
0x15b: {  	v38 =	vld [tilespmem:$0x13190]  }
0x15c: {  	v39 =	vbroadcast v6, $0x8;
	v4 =	vadd.f32 v5, v4;
	v5 =	vmul.f32 v34, v37  }
0x15d: {  	v40 =	vld [tilespmem:$0x131A0]  }
0x15e: {  	v41 =	vbroadcast v6, $0x9;
	v4 =	vadd.f32 v5, v4;
	v5 =	vmul.f32 v36, v39  }
0x15f: {  	v42 =	vld [tilespmem:$0x131B0]  }
0x160: {  	v43 =	vbroadcast v6, $0xA;
	v4 =	vadd.f32 v5, v4;
	v5 =	vmul.f32 v38, v41  }
0x161: {  	v44 =	vld [tilespmem:$0x131C0]  }
0x162: {  	v45 =	vbroadcast v6, $0xB;
	v4 =	vadd.f32 v5, v4;
	v5 =	vmul.f32 v40, v43  }
0x163: {  	v46 =	vld [tilespmem:$0x131D0]  }
0x164: {  	v47 =	vbroadcast v6, $0xC;
	v4 =	vadd.f32 v5, v4;
	v5 =	vmul.f32 v42, v45  }
0x165: {  	v48 =	vld [tilespmem:$0x131E0]  }
0x166: {  	v12 =	vld [tilespmem:s0+$0x1110];
	v49 =	vbroadcast v6, $0xD;
	v4 =	vadd.f32 v5, v4;
	v5 =	vmul.f32 v44, v47  }
0x167: {  	v50 =	vld [tilespmem:$0x131F0]  }
0x168: {  	v51 =	vbroadcast v6, $0xE;
	v4 =	vadd.f32 v5, v4;
	v5 =	vmul.f32 v46, v49  }
0x169: {  	v52 =	vld [tilespmem:$0x13200]  }
0x16a: {  	v6 =	vbroadcast v6, $0xF;
	v4 =	vadd.f32 v5, v4;
	v5 =	vmul.f32 v48, v51  }
0x16b: {  	v53 =	vld [tilespmem:$0x13210]  }
0x16c: {  	v54 =	vbroadcast v12, $0x0;
	v4 =	vadd.f32 v5, v4;
	v5 =	vmul.f32 v50, v6  }
0x16d: {  	v55 =	vld [tilespmem:$0x13220]  }
0x16e: {  	v56 =	vbroadcast v12, $0x1;
	v4 =	vadd.f32 v5, v4;
	v5 =	vmul.f32 v52, v54  }
0x16f: {  	v57 =	vld [tilespmem:$0x13230]  }
0x170: {  	v58 =	vbroadcast v12, $0x2;
	v4 =	vadd.f32 v5, v4;
	v5 =	vmul.f32 v53, v56  }
0x171: {  	v59 =	vld [tilespmem:$0x13240]  }
0x172: {  	v60 =	vbroadcast v12, $0x3;
	v4 =	vadd.f32 v5, v4;
	v5 =	vmul.f32 v55, v58  }
0x173: {  	v61 =	vld [tilespmem:$0x13250]  }
0x174: {  	v62 =	vbroadcast v12, $0x4;
	v4 =	vadd.f32 v5, v4;
	v5 =	vmul.f32 v57, v60  }
0x175: {  	v63 =	vld [tilespmem:$0x13260]  }
0x176: {  	v13 =	vbroadcast v12, $0x5;
	v4 =	vadd.f32 v5, v4;
	v5 =	vmul.f32 v59, v62  }
0x177: {  	v14 =	vld [tilespmem:$0x13270]  }
0x178: {  	v15 =	vbroadcast v12, $0x6;
	v4 =	vadd.f32 v5, v4;
	v5 =	vmul.f32 v61, v13  }
0x179: {  	v16 =	vld [tilespmem:$0x13280]  }
0x17a: {  	v17 =	vbroadcast v12, $0x7;
	v4 =	vadd.f32 v5, v4;
	v5 =	vmul.f32 v63, v15  }
0x17b: {  	v18 =	vld [tilespmem:$0x13290]  }
0x17c: {  	v19 =	vbroadcast v12, $0x8;
	v4 =	vadd.f32 v5, v4;
	v5 =	vmul.f32 v14, v17  }
0x17d: {  	v20 =	vld [tilespmem:$0x132A0]  }
0x17e: {  	v21 =	vbroadcast v12, $0x9;
	v4 =	vadd.f32 v5, v4;
	v5 =	vmul.f32 v16, v19  }
0x17f: {  	v22 =	vld [tilespmem:$0x132B0]  }
0x180: {  	v23 =	vbroadcast v12, $0xA;
	v4 =	vadd.f32 v5, v4;
	v5 =	vmul.f32 v18, v21  }
0x181: {  	v24 =	vld [tilespmem:$0x132C0]  }
0x182: {  	v25 =	vbroadcast v12, $0xB;
	v4 =	vadd.f32 v5, v4;
	v5 =	vmul.f32 v20, v23  }
0x183: {  	v26 =	vld [tilespmem:$0x132D0]  }
0x184: {  	v27 =	vbroadcast v12, $0xC;
	v4 =	vadd.f32 v5, v4;
	v5 =	vmul.f32 v22, v25  }
0x185: {  	v28 =	vld [tilespmem:$0x132E0]  }
0x186: {  	v29 =	vbroadcast v12, $0xD;
	v4 =	vadd.f32 v5, v4;
	v5 =	vmul.f32 v24, v27  }
0x187: {  	v30 =	vld [tilespmem:$0x132F0]  }
0x188: {  	v31 =	vbroadcast v12, $0xE;
	v4 =	vadd.f32 v5, v4;
	v5 =	vmul.f32 v26, v29;
	_ =	sdelay $0x1  }
0x189: {  	s3 =	sadd.s32 $0x10, s28;
	v32 =	vbroadcast v12, $0xF;
	v4 =	vadd.f32 v5, v4;
	v5 =	vmul.f32 v28, v31  }
0x18a: {  	v33 =	vld [tilespmem:s3+$0x0]  }
0x18b: {  	v4 =	vadd.f32 v5, v4;
	v5 =	vmul.f32 v30, v32;
	_ =	sdelay $0x1  }
0x18c: {  	v4 =	vadd.f32 v5, v4;
	_ =	sdelay $0x1  }
0x18d: {  	v4 =	vperm.xlane v4, v33;
	_ =	sdelay $0x1  }
0x18e: {  	v5 =	vperm.xlane v4, v0;
	_ =	sdelay $0x1  }
0x18f: {  	v5 =	vmax.f32 v4, v5  }
0x190: {  	v34 =	vperm.xlane v5, v1;
	_ =	sdelay $0x1  }
0x191: {  	v5 =	vmax.f32 v5, v34  }
0x192: {  	v6 =	vperm.xlane v5, v2;
	_ =	sdelay $0x1  }
0x193: {  	v5 =	vmax.f32 v5, v6  }
0x194: {  	v6 =	vperm.xlane v5, v3;
	_ =	sdelay $0x1  }
0x195: {  	v5 =	vmax.f32 v5, v6  }
0x196: {  	v4 =	vsub.f32 v4, v5;
	_ =	sdelay $0x1  }
0x197: {  	v4 =	vmul.f32 $1.442695020e+00, v4;
	_ =	sdelay $0x1  }
0x198: {  	(erf) = vpow2.f32 v4;
	_ =	sdelay $0x8  }
0x199: {  	v4 =	vpop (erf)  }
0x19a: {  	v5 =	vperm.xlane v4, v0;
	_ =	sdelay $0x1  }
0x19b: {  	v5 =	vadd.f32 v4, v5;
	_ =	sdelay $0x1  }
0x19c: {  	v35 =	vperm.xlane v5, v1;
	_ =	sdelay $0x1  }
0x19d: {  	v5 =	vadd.f32 v5, v35;
	_ =	sdelay $0x1  }
0x19e: {  	v6 =	vperm.xlane v5, v2;
	_ =	sdelay $0x1  }
0x19f: {  	v5 =	vadd.f32 v5, v6;
	_ =	sdelay $0x1  }
0x1a0: {  	v6 =	vperm.xlane v5, v3;
	_ =	sdelay $0x1  }
0x1a1: {  	v5 =	vadd.f32 v5, v6;
	_ =	sdelay $0x1  }
0x1a2: {  	(erf) = vrcp.f32 v5;
	_ =	sdelay $0x5  }
0x1a3: {  	s31 =	sadd.s32 $0x200, s29  }
0x1a4: {  	v37 =	vld [tilespmem:s31+$0xFFFFFF00]  }
0x1a5: {  	v36 =	vld [tilespmem:s0+$0x2100]  }
0x1a6: {  	v39 =	vld [tilespmem:s31+$0xFFFFFF10];
	v38 =	vpop (erf)  }
0x1a7: {  	v41 =	vld [tilespmem:s31+$0xFFFFFF30];
	v4 =	vmul.f32 v38, v4  }
0x1a8: {  	v40 =	vld [tilespmem:s31+$0xFFFFFF20]  }
0x1a9: {  	v5 =	vld [tilespmem:s0+$0x2110];
	v42 =	vbroadcast v4, $0x0  }
0x1aa: {  	v43 =	vld [tilespmem:s31+$0xFFFFFF40]  }
0x1ab: {  	v14 =	vld [tilespmem:s31+$0xFFFFFF50];
	v13 =	vbroadcast v4, $0x1;
	v7 =	vmul.f32 v42, v37  }
0x1ac: {  	v44 =	vld [tilespmem:s31+$0xFFFFFF60];
	v9 =	vmul.f32 v42, v39  }
0x1ad: {  	v16 =	vld [tilespmem:s31+$0xFFFFFF70];
	v15 =	vbroadcast v4, $0x2;
	v45 =	vmul.f32 v13, v40;
	v6 =	vadd.f32 v7, v36  }
0x1ae: {  	v47 =	vld [tilespmem:s31+$0xFFFFFF80];
	v46 =	vmul.f32 v13, v41;
	v5 =	vadd.f32 v9, v5  }
0x1af: {  	v49 =	vld [tilespmem:s31+$0xFFFFFF90];
	v48 =	vbroadcast v4, $0x3;
	v50 =	vmul.f32 v43, v15;
	v6 =	vadd.f32 v6, v45  }
0x1b0: {  	v52 =	vld [tilespmem:s31+$0xFFFFFFA0];
	v51 =	vmul.f32 v14, v15;
	v5 =	vadd.f32 v5, v46  }
0x1b1: {  	v54 =	vld [tilespmem:s31+$0xFFFFFFB0];
	v53 =	vbroadcast v4, $0x4;
	v55 =	vmul.f32 v44, v48;
	v6 =	vadd.f32 v6, v50  }
0x1b2: {  	v56 =	vld [tilespmem:s31+$0xFFFFFFC0];
	v10 =	vmul.f32 v16, v48;
	v5 =	vadd.f32 v5, v51  }
0x1b3: {  	v58 =	vld [tilespmem:s31+$0xFFFFFFD0];
	v57 =	vbroadcast v4, $0x5;
	v59 =	vmul.f32 v47, v53;
	v6 =	vadd.f32 v6, v55  }
0x1b4: {  	v61 =	vld [tilespmem:s31+$0xFFFFFFE0];
	v60 =	vmul.f32 v49, v53;
	v5 =	vadd.f32 v10, v5  }
0x1b5: {  	v63 =	vld [tilespmem:s31+$0xFFFFFFF0];
	v62 =	vbroadcast v4, $0x6;
	v19 =	vmul.f32 v52, v57;
	v6 =	vadd.f32 v59, v6  }
0x1b6: {  	v21 =	vld [tilespmem:s31+$0x0];
	v20 =	vmul.f32 v54, v57;
	v5 =	vadd.f32 v60, v5  }
0x1b7: {  	v23 =	vld [tilespmem:s31+$0x10];
	v22 =	vbroadcast v4, $0x7;
	v24 =	vmul.f32 v56, v62;
	v6 =	vadd.f32 v19, v6  }
0x1b8: {  	v26 =	vld [tilespmem:s31+$0x20];
	v25 =	vmul.f32 v58, v62;
	v5 =	vadd.f32 v20, v5  }
0x1b9: {  	v28 =	vld [tilespmem:s31+$0x30];
	v27 =	vbroadcast v4, $0x8;
	v29 =	vmul.f32 v61, v22;
	v6 =	vadd.f32 v24, v6  }
0x1ba: {  	v31 =	vld [tilespmem:s31+$0x40];
	v30 =	vmul.f32 v63, v22;
	v5 =	vadd.f32 v25, v5  }
0x1bb: {  	v33 =	vld [tilespmem:s31+$0x50];
	v32 =	vbroadcast v4, $0x9;
	v34 =	vmul.f32 v21, v27;
	v6 =	vadd.f32 v29, v6  }
0x1bc: {  	v35 =	vmul.f32 v23, v27;
	v36 =	vld [tilespmem:s31+$0x60];
	v5 =	vadd.f32 v30, v5  }
0x1bd: {  	v38 =	vld [tilespmem:s31+$0x70];
	v37 =	vbroadcast v4, $0xA;
	v39 =	vmul.f32 v26, v32;
	v6 =	vadd.f32 v34, v6  }
0x1be: {  	v40 =	vmul.f32 v28, v32;
	v41 =	vld [tilespmem:s31+$0x80];
	v5 =	vadd.f32 v35, v5  }
0x1bf: {  	v42 =	vbroadcast v4, $0xB;
	v43 =	vld [tilespmem:s31+$0x90];
	v44 =	vmul.f32 v31, v37;
	v6 =	vadd.f32 v39, v6  }
0x1c0: {  	v45 =	vmul.f32 v33, v37;
	v46 =	vld [tilespmem:s31+$0xA0];
	v5 =	vadd.f32 v40, v5  }
0x1c1: {  	v47 =	vbroadcast v4, $0xC;
	v48 =	vld [tilespmem:s31+$0xB0];
	v49 =	vmul.f32 v36, v42;
	v6 =	vadd.f32 v44, v6  }
0x1c2: {  	v50 =	vmul.f32 v38, v42;
	v51 =	vld [tilespmem:s31+$0xC0];
	v5 =	vadd.f32 v45, v5  }
0x1c3: {  	v52 =	vbroadcast v4, $0xD;
	v53 =	vld [tilespmem:s31+$0xD0];
	v54 =	vmul.f32 v41, v47;
	v6 =	vadd.f32 v49, v6  }
0x1c4: {  	v56 =	vld [tilespmem:s31+$0xE0];
	v55 =	vmul.f32 v43, v47;
	v5 =	vadd.f32 v50, v5  }
0x1c5: {  	v57 =	vbroadcast v4, $0xE;
	v58 =	vld [tilespmem:s31+$0xF0];
	v59 =	vmul.f32 v46, v52;
	v6 =	vadd.f32 v54, v6  }
0x1c6: {  	v60 =	vmul.f32 v48, v52;
	v5 =	vadd.f32 v55, v5  }
0x1c7: {  	v4 =	vbroadcast v4, $0xF;
	v61 =	vmul.f32 v51, v57;
	v6 =	vadd.f32 v59, v6  }
0x1c8: {  	v62 =	vmul.f32 v53, v57;
	v5 =	vadd.f32 v60, v5  }
0x1c9: {  	v63 =	vmul.f32 v56, v4;
	v6 =	vadd.f32 v61, v6  }
0x1ca: {  	v4 =	vmul.f32 v58, v4;
	v5 =	vadd.f32 v62, v5  }
0x1cb: {  	v6 =	vadd.f32 v63, v6  }
0x1cc: {  	v4 =	vadd.f32 v4, v5  }
0x1cd: {  	[tilespmem:s0+$0x13300] =	vst v6  }
0x1ce: {  	[tilespmem:s0+$0x13310] =	vst v4  }
0x1cf: {  	[hbm4b:s10+s2] =	stream.linear.scatter [tilespmem:s16], [sflag:$0x4], $0x1000, $0x38;
	[tilespmem:$0x14300] =	vst v63  }
0x1d0: {  	s25 =	sadd.s32 $0x1, s25;
	_ =	swait.ge [sflag:s13], $0x1000  }
0x1d1: {  	p0 =	sne.s32 s25, s12;
	[sflag:s13] =	ssyncset.done $0x0  }
.Ltmp3:
0x1d2: {  	[sflag:s13] =	ssyncadd.s32 $0xFFFFF000;
	(pc) =	sbr.rel @p0 .LBB2_1-.Ltmp3, $4  }
0x1d3: {  	[hbm4b:s11+s2] =	stream.linear.scatter [tilespmem:s24], [sflag:$0x4], $0x1000, $0x38;
	[tilespmem:$0x14300] =	vst v63  }
0x1d4: {  	_ =	swait.ge [sflag:s13], $0x1000  }
0x1d5: {  	[sflag:s13] =	ssyncset.done $0x0  }
0x1d6: {  	[sflag:s13] =	ssyncadd.s32 $0xFFFFF000  }
0x1d7: {  	_ =	sfence.sel $0x180000  }
0x1d8: {  	[bflag:$0x0] =	sbarrier.arrive $0xFFFF  }
0x1d9: {  	_ =	strace $0x90000047  }
0x1da: {  	s0 =	stileid.u32;
	[bflag:$0x2] =	sbarrier.arrive $0xFFFF  }
0x1db: {  	p0 =	sne.s32 s0, $0x0;
	s0 =	rddreg [dreg:$0x4]  }
0x1dc: {  	s0 =	sadd.s32 @!p0 $0x100000, s0  }
0x1dd: {  	[sflag:s0] =	ssyncadd.tile.s32 @!p0 $0x1;
	_ =	shalt  }
.Lfunc_end2:
_tile_overlayer_lowered:
.L_overlay_start_2:
0x1de: {  	(tag) =	ssettag $0x2  }
0x1df: {  	s0 =	rddreg [dreg:$0x0];
	s2 =	stileid.u32  }
0x1e0: {  	s1 =	rddreg [dreg:$0x1];
	p0 =	sne.s32 s2, $0x0  }
0x1e1: {  	s3 =	rddreg [dreg:$0x2];
	[bflag:$0x3] =	sbarrier.arrive $0xFFFF;
	s2 =	simm.s32 @!p0 $0x1C04  }
0x1e2: {  	[timem:s3], [sflag:s2] =	dma.local @!p0 [hbm:s0], s1  }
0x1e3: {  	s0 =	simm.s32 @!p0 $0x4  }
0x1e4: {  	_ =	swait.ge @!p0 [sflag:s0], s1  }
0x1e5: {  	s1 =	ssub.s32 @!p0 $0x0, s1;
	[sflag:s0] =	ssyncset.done @!p0 $0x0  }
0x1e6: {  	[sflag:s0] =	ssyncadd.s32 @!p0 s1  }
0x1e7: {  	[bflag:$0x3] =	sbarrier.arrive $0xFFFF  }
0x1e8: {  	_ =	shalt  }

</sc_bundles>
